<compile_context>
chip_gen: v7x
topology: tpu7x:2x2x1
jax: 0.10.2.dev20260603
libtpu: 0.0.44.dev20260713+nightly
codegen_flags: <defaults>
</compile_context>

<pallas_src>
import functools

import jax
import jax.numpy as jnp
from jax import lax
from jax.experimental import pallas as pl
from jax.experimental.pallas import tpu as pltpu
from jax.experimental.pallas import tpu_sc as plsc

N_ROWS = 1000001
EMB_DIM = 32
BATCH = 16384
_LANE_BLK = 128

_INFO = plsc.get_sparse_core_info()
_NC = _INFO.num_cores
_NS = _INFO.num_subcores
_NW = _NC * _NS
_B_PER_W = BATCH // _NW
_GRP = 8
_NGRP = _B_PER_W // _GRP


def _gather_body(idx_hbm, embt_hbm, outt_hbm, idx_v, cols_v, blks_v, *sems):
    wid = lax.axis_index("s") * _NC + lax.axis_index("c")
    base = wid * _B_PER_W
    pltpu.sync_copy(idx_hbm.at[pl.ds(base, _B_PER_W)], idx_v)
    lanes = lax.broadcasted_iota(jnp.int32, (16,), 0)

    def lane_scalar(v, j):
        return lax.reduce_max(jnp.where(lanes == j, v, 0), axes=(0,))

    def load_pair(h):
        return idx_v[pl.ds(h * 16, 16)]

    def fire(v, bank, lane0):
        for j in range(_GRP):
            q = lane_scalar(v >> 7, lane0 + j)
            slot = bank * _GRP + j
            pltpu.async_copy(
                embt_hbm.at[:, pl.ds(pl.multiple_of(q * _LANE_BLK, 128), _LANE_BLK)],
                blks_v.at[slot],
                sems[slot],
            )

    def drain(bank):
        for j in range(_GRP):
            slot = bank * _GRP + j
            pltpu.make_async_copy(
                embt_hbm.at[:, pl.ds(0, _LANE_BLK)], blks_v.at[slot], sems[slot]
            ).wait()

    def select(v, bank, h):
        mask = lanes < _GRP if bank == 0 else lanes >= _GRP
        s_vec = v & 127
        i_vec = h * 16 + lanes
        for c in range(EMB_DIM):
            c_vec = jnp.full((16,), c, jnp.int32)
            vals = plsc.load_gather(blks_v, [lanes, c_vec, s_vec])
            plsc.store_scatter(cols_v, [c_vec, i_vec], vals, mask=mask)

    fire(load_pair(0), 0, 0)

    def loop_body(h, _):
        v = load_pair(h)
        fire(v, 1, _GRP)
        drain(0)
        select(v, 0, h)

        @pl.when(h + 1 < _NGRP // 2)
        def _():
            fire(load_pair(h + 1), 0, 0)

        drain(1)
        select(v, 1, h)
        return ()

    lax.fori_loop(0, _NGRP // 2, loop_body, (), unroll=False)

    pltpu.sync_copy(cols_v, outt_hbm.at[:, pl.ds(base, _B_PER_W)])


@jax.jit
def _gather(idx, emb):
    mesh = plsc.VectorSubcoreMesh(core_axis_name="c", subcore_axis_name="s")
    run = functools.partial(
        pl.kernel,
        mesh=mesh,
        out_type=jax.ShapeDtypeStruct((EMB_DIM, BATCH), jnp.float32),
        scratch_types=[
            pltpu.VMEM((_B_PER_W,), jnp.int32),
            pltpu.VMEM((EMB_DIM, _B_PER_W), jnp.float32),
            pltpu.VMEM((2 * _GRP, EMB_DIM, _LANE_BLK), jnp.float32),
        ] + [pltpu.SemaphoreType.DMA] * (2 * _GRP),
        compiler_params=pltpu.CompilerParams(
            needs_layout_passes=False,
            disable_bounds_checks=True,
        ),
    )(_gather_body)
    out_t = run(idx, emb.T)
    return out_t.T


def kernel(idx, emb):
    return _gather(idx, emb)

# --- scband reference (transcript-rebuilt; emitter-appended) ---
"""Pipeline reference for scband-memory-47450798686427 (READ-ONLY COPY).

The authoritative reference and input builder live on the scoring server;
editing this copy changes nothing except your own understanding.
"""

import jax, jax.numpy as jnp
import numpy as np

N_NODES = 1000000
EMB_DIM = 32
BATCH = 16384

def setup_inputs(seed: int = 0) -> dict:
    key = jax.random.key(seed)
    k_idx, k_emb = jax.random.split(key)
    idx = jax.random.randint(k_idx, (BATCH,), 0, N_NODES, dtype=jnp.int64 if jax.config.jax_enable_x64 else jnp.int32).astype(jnp.int32)
    # emb: (n_nodes + 1, emb_dim), xavier_normal init, row 0 zeroed (padding row)
    fan_in = N_NODES + 1
    fan_out = EMB_DIM
    std = float(np.sqrt(2.0 / (fan_in + fan_out)))
    emb = jax.random.normal(k_emb, (N_NODES + 1, EMB_DIM), dtype=jnp.float32) * std
    emb = emb.at[0].set(0.0)
    return {"idx": idx, "emb": emb}

def reference(idx, emb):
    # Memory read: gather rows of the memory table by node id.
    return jnp.take(emb, idx, axis=0)

if __name__ == "__main__":
    import jax
    _d = setup_inputs()
    print(jax.jit(kernel)(*tuple(_d.values())))

</pallas_src>

<mosaic_0001>
#map = affine_map<(d0, d1) -> (0)>
#map1 = affine_map<(d0, d1) -> (0, 0)>
module attributes {stable_mosaic.version = 14 : i64} {
  func.func @_gather_body(%arg0: i32, %arg1: i32, %arg2: memref<16384xi32, #tpu.memory_space<hbm>>, %arg3: memref<32x1000001xf32, #tpu.memory_space<hbm>>, %arg4: memref<32x16384xf32, #tpu.memory_space<hbm>>, %arg5: memref<512xi32, #tpu.memory_space<vmem>>, %arg6: memref<32x512xf32, #tpu.memory_space<vmem>>, %arg7: memref<16x32x128xf32, #tpu.memory_space<vmem>>, %arg8: memref<!tpu.dma_semaphore, #tpu.memory_space<semaphore_mem>>, %arg9: memref<!tpu.dma_semaphore, #tpu.memory_space<semaphore_mem>>, %arg10: memref<!tpu.dma_semaphore, #tpu.memory_space<semaphore_mem>>, %arg11: memref<!tpu.dma_semaphore, #tpu.memory_space<semaphore_mem>>, %arg12: memref<!tpu.dma_semaphore, #tpu.memory_space<semaphore_mem>>, %arg13: memref<!tpu.dma_semaphore, #tpu.memory_space<semaphore_mem>>, %arg14: memref<!tpu.dma_semaphore, #tpu.memory_space<semaphore_mem>>, %arg15: memref<!tpu.dma_semaphore, #tpu.memory_space<semaphore_mem>>, %arg16: memref<!tpu.dma_semaphore, #tpu.memory_space<semaphore_mem>>, %arg17: memref<!tpu.dma_semaphore, #tpu.memory_space<semaphore_mem>>, %arg18: memref<!tpu.dma_semaphore, #tpu.memory_space<semaphore_mem>>, %arg19: memref<!tpu.dma_semaphore, #tpu.memory_space<semaphore_mem>>, %arg20: memref<!tpu.dma_semaphore, #tpu.memory_space<semaphore_mem>>, %arg21: memref<!tpu.dma_semaphore, #tpu.memory_space<semaphore_mem>>, %arg22: memref<!tpu.dma_semaphore, #tpu.memory_space<semaphore_mem>>, %arg23: memref<!tpu.dma_semaphore, #tpu.memory_space<semaphore_mem>>) attributes {dimension_semantics = [#tpu.dimension_semantics<core_parallel>, #tpu.dimension_semantics<subcore_parallel>], iteration_bounds = array<i64: 2, 16>, scalar_prefetch = 0 : i64, scratch_operands = 19 : i64, tpu.core_type = #tpu.core_type<sc_vector_subcore>, window_params = [{transform_indices = #map}, {transform_indices = #map1}, {transform_indices = #map1}]} {
    %mul3A = arith.constant 2 : i32
    %mul3A_0 = arith.muli %arg1, %mul3A : i32
    %add3A = arith.addi %mul3A_0, %arg0 : i32
    %mul3A_1 = arith.constant 512 : i32
    %mul3A_2 = arith.muli %add3A, %mul3A_1 : i32
    "tpu.region"() ({
      %run_scoped3A = tpu.sem_alloc : memref<!tpu.dma_semaphore, #tpu.memory_space<semaphore_mem>>
      %dma_start3A_264 = tpu.memref_slice %arg2[%mul3A_2] : memref<16384xi32, #tpu.memory_space<hbm>> -> memref<512xi32, #tpu.memory_space<hbm>>
      %dma_start3A_265 = tpu.memref_slice %arg2[%mul3A_2] : memref<16384xi32, #tpu.memory_space<hbm>> -> memref<512xi32, #tpu.memory_space<hbm>>
      tpu.enqueue_dma source(%dma_start3A_265 : memref<512xi32, #tpu.memory_space<hbm>>) target(%arg5 : memref<512xi32, #tpu.memory_space<vmem>>) target_semaphore(%run_scoped3A : memref<!tpu.dma_semaphore, #tpu.memory_space<semaphore_mem>>)
      %dma_wait3A = tpu.memref_slice %arg2[%mul3A_2] : memref<16384xi32, #tpu.memory_space<hbm>> -> memref<512xi32, #tpu.memory_space<hbm>>
      %dma_wait3A_266 = tpu.memref_slice %arg2[%mul3A_2] : memref<16384xi32, #tpu.memory_space<hbm>> -> memref<512xi32, #tpu.memory_space<hbm>>
      tpu.wait_dma2 semaphore(%run_scoped3A : memref<!tpu.dma_semaphore, #tpu.memory_space<semaphore_mem>>) src(%dma_wait3A_266 : memref<512xi32, #tpu.memory_space<hbm>>) dst(%arg5 : memref<512xi32, #tpu.memory_space<vmem>>)
      tpu.yield
    }) : () -> ()
    %iota3A = tpu.iota {dimensions = array<i32: 0>} : vector<16xi32>
    %get3A = arith.constant 0 : index
    %get3A_3 = tpu.vector_load %arg5[%get3A] {strides = array<i32>} : memref<512xi32, #tpu.memory_space<vmem>>, vector<16xi32>,
    %shift_right_arithmetic3A = arith.constant 7 : i32
    %shift_right_arithmetic3A_4 = vector.broadcast %shift_right_arithmetic3A : i32 to vector<16xi32>
    %shift_right_arithmetic3A_5 = arith.shrsi %get3A_3, %shift_right_arithmetic3A_4 : vector<16xi32>
    %eq3A = arith.constant 0 : i32
    %eq3A_6 = vector.broadcast %eq3A : i32 to vector<16xi32>
    %eq3A_7 = arith.cmpi eq, %iota3A, %eq3A_6 : vector<16xi32>
    %jit3A = arith.constant 0 : i32
    %broadcast_in_dim3A = vector.broadcast %jit3A : i32 to vector<16xi32>
    %select_n3A = arith.select %eq3A_7, %shift_right_arithmetic3A_5, %broadcast_in_dim3A : vector<16xi1>, vector<16xi32>
    %reduce_max3A = arith.constant true
    %reduce_max3A_8 = vector.broadcast %reduce_max3A : i1 to vector<16xi1>
    %reduce_max3A_9 = arith.constant -2147483648 : i32
    %reduce_max3A_10 = vector.broadcast %reduce_max3A_9 : i32 to vector<16xi32>
    %reduce_max3A_11 = arith.xori %select_n3A, %reduce_max3A_10 : vector<16xi32>
    %reduce_max3A_12 = tpu.scan <max>, %reduce_max3A_11 masked %reduce_max3A_8 : vector<16xi32>, vector<16xi1> -> vector<16xi32>
    %reduce_max3A_13 = arith.xori %reduce_max3A_12, %reduce_max3A_10 : vector<16xi32>
    %reduce_max3A_14 = vector.extract %reduce_max3A_13[15] : i32 from vector<16xi32>
    %mul3A_15 = arith.constant 128 : i32
    %mul3A_16 = arith.muli %reduce_max3A_14, %mul3A_15 : i32
    %multiple_of3A = tpu.assume_multiple %mul3A_16, 128 : i32
    %dma_start3A = arith.constant 0 : i32
    %dma_start3A_17 = arith.constant 0 : i32
    %dma_start3A_18 = arith.constant 0 : i32
    %dma_start3A_19 = tpu.memref_slice %arg7[%dma_start3A, %dma_start3A_17, %dma_start3A_18] : memref<16x32x128xf32, #tpu.memory_space<vmem>> -> memref<1x32x128xf32, #tpu.memory_space<vmem>>
    %dma_start3A_20 = tpu.memref_squeeze %dma_start3A_19 : memref<1x32x128xf32, #tpu.memory_space<vmem>> -> memref<32x128xf32, #tpu.memory_space<vmem>>
    %dma_start3A_21 = arith.constant 0 : i32
    %dma_start3A_22 = tpu.memref_slice %arg3[%dma_start3A_21, %multiple_of3A] : memref<32x1000001xf32, #tpu.memory_space<hbm>> -> memref<32x128xf32, #tpu.memory_space<hbm>>
    %dma_start3A_23 = arith.constant 0 : i32
    %dma_start3A_24 = arith.constant 0 : i32
    %dma_start3A_25 = tpu.memref_slice %arg7[%dma_start3A, %dma_start3A_23, %dma_start3A_24] : memref<16x32x128xf32, #tpu.memory_space<vmem>> -> memref<1x32x128xf32, #tpu.memory_space<vmem>>
    %dma_start3A_26 = tpu.memref_squeeze %dma_start3A_25 : memref<1x32x128xf32, #tpu.memory_space<vmem>> -> memref<32x128xf32, #tpu.memory_space<vmem>>
    %dma_start3A_27 = arith.constant 0 : i32
    %dma_start3A_28 = tpu.memref_slice %arg3[%dma_start3A_27, %multiple_of3A] : memref<32x1000001xf32, #tpu.memory_space<hbm>> -> memref<32x128xf32, #tpu.memory_space<hbm>>
    tpu.enqueue_dma source(%dma_start3A_28 : memref<32x128xf32, #tpu.memory_space<hbm>>) target(%dma_start3A_26 : memref<32x128xf32, #tpu.memory_space<vmem>>) target_semaphore(%arg8 : memref<!tpu.dma_semaphore, #tpu.memory_space<semaphore_mem>>)
    %shift_right_arithmetic3A_29 = arith.constant 7 : i32
    %shift_right_arithmetic3A_30 = vector.broadcast %shift_right_arithmetic3A_29 : i32 to vector<16xi32>
    %shift_right_arithmetic3A_31 = arith.shrsi %get3A_3, %shift_right_arithmetic3A_30 : vector<16xi32>
    %eq3A_32 = arith.constant 1 : i32
    %eq3A_33 = vector.broadcast %eq3A_32 : i32 to vector<16xi32>
    %eq3A_34 = arith.cmpi eq, %iota3A, %eq3A_33 : vector<16xi32>
    %jit3A_35 = arith.constant 0 : i32
    %broadcast_in_dim3A_36 = vector.broadcast %jit3A_35 : i32 to vector<16xi32>
    %select_n3A_37 = arith.select %eq3A_34, %shift_right_arithmetic3A_31, %broadcast_in_dim3A_36 : vector<16xi1>, vector<16xi32>
    %reduce_max3A_38 = arith.constant true
    %reduce_max3A_39 = vector.broadcast %reduce_max3A_38 : i1 to vector<16xi1>
    %reduce_max3A_40 = arith.constant -2147483648 : i32
    %reduce_max3A_41 = vector.broadcast %reduce_max3A_40 : i32 to vector<16xi32>
    %reduce_max3A_42 = arith.xori %select_n3A_37, %reduce_max3A_41 : vector<16xi32>
    %reduce_max3A_43 = tpu.scan <max>, %reduce_max3A_42 masked %reduce_max3A_39 : vector<16xi32>, vector<16xi1> -> vector<16xi32>
    %reduce_max3A_44 = arith.xori %reduce_max3A_43, %reduce_max3A_41 : vector<16xi32>
    %reduce_max3A_45 = vector.extract %reduce_max3A_44[15] : i32 from vector<16xi32>
    %mul3A_46 = arith.constant 128 : i32
    %mul3A_47 = arith.muli %reduce_max3A_45, %mul3A_46 : i32
    %multiple_of3A_48 = tpu.assume_multiple %mul3A_47, 128 : i32
    %dma_start3A_49 = arith.constant 1 : i32
    %dma_start3A_50 = arith.constant 0 : i32
    %dma_start3A_51 = arith.constant 0 : i32
    %dma_start3A_52 = tpu.memref_slice %arg7[%dma_start3A_49, %dma_start3A_50, %dma_start3A_51] : memref<16x32x128xf32, #tpu.memory_space<vmem>> -> memref<1x32x128xf32, #tpu.memory_space<vmem>>
    %dma_start3A_53 = tpu.memref_squeeze %dma_start3A_52 : memref<1x32x128xf32, #tpu.memory_space<vmem>> -> memref<32x128xf32, #tpu.memory_space<vmem>>
    %dma_start3A_54 = arith.constant 0 : i32
    %dma_start3A_55 = tpu.memref_slice %arg3[%dma_start3A_54, %multiple_of3A_48] : memref<32x1000001xf32, #tpu.memory_space<hbm>> -> memref<32x128xf32, #tpu.memory_space<hbm>>
    %dma_start3A_56 = arith.constant 0 : i32
    %dma_start3A_57 = arith.constant 0 : i32
    %dma_start3A_58 = tpu.memref_slice %arg7[%dma_start3A_49, %dma_start3A_56, %dma_start3A_57] : memref<16x32x128xf32, #tpu.memory_space<vmem>> -> memref<1x32x128xf32, #tpu.memory_space<vmem>>
    %dma_start3A_59 = tpu.memref_squeeze %dma_start3A_58 : memref<1x32x128xf32, #tpu.memory_space<vmem>> -> memref<32x128xf32, #tpu.memory_space<vmem>>
    %dma_start3A_60 = arith.constant 0 : i32
    %dma_start3A_61 = tpu.memref_slice %arg3[%dma_start3A_60, %multiple_of3A_48] : memref<32x1000001xf32, #tpu.memory_space<hbm>> -> memref<32x128xf32, #tpu.memory_space<hbm>>
    tpu.enqueue_dma source(%dma_start3A_61 : memref<32x128xf32, #tpu.memory_space<hbm>>) target(%dma_start3A_59 : memref<32x128xf32, #tpu.memory_space<vmem>>) target_semaphore(%arg9 : memref<!tpu.dma_semaphore, #tpu.memory_space<semaphore_mem>>)
    %shift_right_arithmetic3A_62 = arith.constant 7 : i32
    %shift_right_arithmetic3A_63 = vector.broadcast %shift_right_arithmetic3A_62 : i32 to vector<16xi32>
    %shift_right_arithmetic3A_64 = arith.shrsi %get3A_3, %shift_right_arithmetic3A_63 : vector<16xi32>
    %eq3A_65 = arith.constant 2 : i32
    %eq3A_66 = vector.broadcast %eq3A_65 : i32 to vector<16xi32>
    %eq3A_67 = arith.cmpi eq, %iota3A, %eq3A_66 : vector<16xi32>
    %jit3A_68 = arith.constant 0 : i32
    %broadcast_in_dim3A_69 = vector.broadcast %jit3A_68 : i32 to vector<16xi32>
    %select_n3A_70 = arith.select %eq3A_67, %shift_right_arithmetic3A_64, %broadcast_in_dim3A_69 : vector<16xi1>, vector<16xi32>
    %reduce_max3A_71 = arith.constant true
    %reduce_max3A_72 = vector.broadcast %reduce_max3A_71 : i1 to vector<16xi1>
    %reduce_max3A_73 = arith.constant -2147483648 : i32
    %reduce_max3A_74 = vector.broadcast %reduce_max3A_73 : i32 to vector<16xi32>
    %reduce_max3A_75 = arith.xori %select_n3A_70, %reduce_max3A_74 : vector<16xi32>
    %reduce_max3A_76 = tpu.scan <max>, %reduce_max3A_75 masked %reduce_max3A_72 : vector<16xi32>, vector<16xi1> -> vector<16xi32>
    %reduce_max3A_77 = arith.xori %reduce_max3A_76, %reduce_max3A_74 : vector<16xi32>
    %reduce_max3A_78 = vector.extract %reduce_max3A_77[15] : i32 from vector<16xi32>
    %mul3A_79 = arith.constant 128 : i32
    %mul3A_80 = arith.muli %reduce_max3A_78, %mul3A_79 : i32
    %multiple_of3A_81 = tpu.assume_multiple %mul3A_80, 128 : i32
    %dma_start3A_82 = arith.constant 2 : i32
    %dma_start3A_83 = arith.constant 0 : i32
    %dma_start3A_84 = arith.constant 0 : i32
    %dma_start3A_85 = tpu.memref_slice %arg7[%dma_start3A_82, %dma_start3A_83, %dma_start3A_84] : memref<16x32x128xf32, #tpu.memory_space<vmem>> -> memref<1x32x128xf32, #tpu.memory_space<vmem>>
    %dma_start3A_86 = tpu.memref_squeeze %dma_start3A_85 : memref<1x32x128xf32, #tpu.memory_space<vmem>> -> memref<32x128xf32, #tpu.memory_space<vmem>>
    %dma_start3A_87 = arith.constant 0 : i32
    %dma_start3A_88 = tpu.memref_slice %arg3[%dma_start3A_87, %multiple_of3A_81] : memref<32x1000001xf32, #tpu.memory_space<hbm>> -> memref<32x128xf32, #tpu.memory_space<hbm>>
    %dma_start3A_89 = arith.constant 0 : i32
    %dma_start3A_90 = arith.constant 0 : i32
    %dma_start3A_91 = tpu.memref_slice %arg7[%dma_start3A_82, %dma_start3A_89, %dma_start3A_90] : memref<16x32x128xf32, #tpu.memory_space<vmem>> -> memref<1x32x128xf32, #tpu.memory_space<vmem>>
    %dma_start3A_92 = tpu.memref_squeeze %dma_start3A_91 : memref<1x32x128xf32, #tpu.memory_space<vmem>> -> memref<32x128xf32, #tpu.memory_space<vmem>>
    %dma_start3A_93 = arith.constant 0 : i32
    %dma_start3A_94 = tpu.memref_slice %arg3[%dma_start3A_93, %multiple_of3A_81] : memref<32x1000001xf32, #tpu.memory_space<hbm>> -> memref<32x128xf32, #tpu.memory_space<hbm>>
    tpu.enqueue_dma source(%dma_start3A_94 : memref<32x128xf32, #tpu.memory_space<hbm>>) target(%dma_start3A_92 : memref<32x128xf32, #tpu.memory_space<vmem>>) target_semaphore(%arg10 : memref<!tpu.dma_semaphore, #tpu.memory_space<semaphore_mem>>)
    %shift_right_arithmetic3A_95 = arith.constant 7 : i32
    %shift_right_arithmetic3A_96 = vector.broadcast %shift_right_arithmetic3A_95 : i32 to vector<16xi32>
    %shift_right_arithmetic3A_97 = arith.shrsi %get3A_3, %shift_right_arithmetic3A_96 : vector<16xi32>
    %eq3A_98 = arith.constant 3 : i32
    %eq3A_99 = vector.broadcast %eq3A_98 : i32 to vector<16xi32>
    %eq3A_100 = arith.cmpi eq, %iota3A, %eq3A_99 : vector<16xi32>
    %jit3A_101 = arith.constant 0 : i32
    %broadcast_in_dim3A_102 = vector.broadcast %jit3A_101 : i32 to vector<16xi32>
    %select_n3A_103 = arith.select %eq3A_100, %shift_right_arithmetic3A_97, %broadcast_in_dim3A_102 : vector<16xi1>, vector<16xi32>
    %reduce_max3A_104 = arith.constant true
    %reduce_max3A_105 = vector.broadcast %reduce_max3A_104 : i1 to vector<16xi1>
    %reduce_max3A_106 = arith.constant -2147483648 : i32
    %reduce_max3A_107 = vector.broadcast %reduce_max3A_106 : i32 to vector<16xi32>
    %reduce_max3A_108 = arith.xori %select_n3A_103, %reduce_max3A_107 : vector<16xi32>
    %reduce_max3A_109 = tpu.scan <max>, %reduce_max3A_108 masked %reduce_max3A_105 : vector<16xi32>, vector<16xi1> -> vector<16xi32>
    %reduce_max3A_110 = arith.xori %reduce_max3A_109, %reduce_max3A_107 : vector<16xi32>
    %reduce_max3A_111 = vector.extract %reduce_max3A_110[15] : i32 from vector<16xi32>
    %mul3A_112 = arith.constant 128 : i32
    %mul3A_113 = arith.muli %reduce_max3A_111, %mul3A_112 : i32
    %multiple_of3A_114 = tpu.assume_multiple %mul3A_113, 128 : i32
    %dma_start3A_115 = arith.constant 3 : i32
    %dma_start3A_116 = arith.constant 0 : i32
    %dma_start3A_117 = arith.constant 0 : i32
    %dma_start3A_118 = tpu.memref_slice %arg7[%dma_start3A_115, %dma_start3A_116, %dma_start3A_117] : memref<16x32x128xf32, #tpu.memory_space<vmem>> -> memref<1x32x128xf32, #tpu.memory_space<vmem>>
    %dma_start3A_119 = tpu.memref_squeeze %dma_start3A_118 : memref<1x32x128xf32, #tpu.memory_space<vmem>> -> memref<32x128xf32, #tpu.memory_space<vmem>>
    %dma_start3A_120 = arith.constant 0 : i32
    %dma_start3A_121 = tpu.memref_slice %arg3[%dma_start3A_120, %multiple_of3A_114] : memref<32x1000001xf32, #tpu.memory_space<hbm>> -> memref<32x128xf32, #tpu.memory_space<hbm>>
    %dma_start3A_122 = arith.constant 0 : i32
    %dma_start3A_123 = arith.constant 0 : i32
    %dma_start3A_124 = tpu.memref_slice %arg7[%dma_start3A_115, %dma_start3A_122, %dma_start3A_123] : memref<16x32x128xf32, #tpu.memory_space<vmem>> -> memref<1x32x128xf32, #tpu.memory_space<vmem>>
    %dma_start3A_125 = tpu.memref_squeeze %dma_start3A_124 : memref<1x32x128xf32, #tpu.memory_space<vmem>> -> memref<32x128xf32, #tpu.memory_space<vmem>>
    %dma_start3A_126 = arith.constant 0 : i32
    %dma_start3A_127 = tpu.memref_slice %arg3[%dma_start3A_126, %multiple_of3A_114] : memref<32x1000001xf32, #tpu.memory_space<hbm>> -> memref<32x128xf32, #tpu.memory_space<hbm>>
    tpu.enqueue_dma source(%dma_start3A_127 : memref<32x128xf32, #tpu.memory_space<hbm>>) target(%dma_start3A_125 : memref<32x128xf32, #tpu.memory_space<vmem>>) target_semaphore(%arg11 : memref<!tpu.dma_semaphore, #tpu.memory_space<semaphore_mem>>)
    %shift_right_arithmetic3A_128 = arith.constant 7 : i32
    %shift_right_arithmetic3A_129 = vector.broadcast %shift_right_arithmetic3A_128 : i32 to vector<16xi32>
    %shift_right_arithmetic3A_130 = arith.shrsi %get3A_3, %shift_right_arithmetic3A_129 : vector<16xi32>
    %eq3A_131 = arith.constant 4 : i32
    %eq3A_132 = vector.broadcast %eq3A_131 : i32 to vector<16xi32>
    %eq3A_133 = arith.cmpi eq, %iota3A, %eq3A_132 : vector<16xi32>
    %jit3A_134 = arith.constant 0 : i32
    %broadcast_in_dim3A_135 = vector.broadcast %jit3A_134 : i32 to vector<16xi32>
    %select_n3A_136 = arith.select %eq3A_133, %shift_right_arithmetic3A_130, %broadcast_in_dim3A_135 : vector<16xi1>, vector<16xi32>
    %reduce_max3A_137 = arith.constant true
    %reduce_max3A_138 = vector.broadcast %reduce_max3A_137 : i1 to vector<16xi1>
    %reduce_max3A_139 = arith.constant -2147483648 : i32
    %reduce_max3A_140 = vector.broadcast %reduce_max3A_139 : i32 to vector<16xi32>
    %reduce_max3A_141 = arith.xori %select_n3A_136, %reduce_max3A_140 : vector<16xi32>
    %reduce_max3A_142 = tpu.scan <max>, %reduce_max3A_141 masked %reduce_max3A_138 : vector<16xi32>, vector<16xi1> -> vector<16xi32>
    %reduce_max3A_143 = arith.xori %reduce_max3A_142, %reduce_max3A_140 : vector<16xi32>
    %reduce_max3A_144 = vector.extract %reduce_max3A_143[15] : i32 from vector<16xi32>
    %mul3A_145 = arith.constant 128 : i32
    %mul3A_146 = arith.muli %reduce_max3A_144, %mul3A_145 : i32
    %multiple_of3A_147 = tpu.assume_multiple %mul3A_146, 128 : i32
    %dma_start3A_148 = arith.constant 4 : i32
    %dma_start3A_149 = arith.constant 0 : i32
    %dma_start3A_150 = arith.constant 0 : i32
    %dma_start3A_151 = tpu.memref_slice %arg7[%dma_start3A_148, %dma_start3A_149, %dma_start3A_150] : memref<16x32x128xf32, #tpu.memory_space<vmem>> -> memref<1x32x128xf32, #tpu.memory_space<vmem>>
    %dma_start3A_152 = tpu.memref_squeeze %dma_start3A_151 : memref<1x32x128xf32, #tpu.memory_space<vmem>> -> memref<32x128xf32, #tpu.memory_space<vmem>>
    %dma_start3A_153 = arith.constant 0 : i32
    %dma_start3A_154 = tpu.memref_slice %arg3[%dma_start3A_153, %multiple_of3A_147] : memref<32x1000001xf32, #tpu.memory_space<hbm>> -> memref<32x128xf32, #tpu.memory_space<hbm>>
    %dma_start3A_155 = arith.constant 0 : i32
    %dma_start3A_156 = arith.constant 0 : i32
    %dma_start3A_157 = tpu.memref_slice %arg7[%dma_start3A_148, %dma_start3A_155, %dma_start3A_156] : memref<16x32x128xf32, #tpu.memory_space<vmem>> -> memref<1x32x128xf32, #tpu.memory_space<vmem>>
    %dma_start3A_158 = tpu.memref_squeeze %dma_start3A_157 : memref<1x32x128xf32, #tpu.memory_space<vmem>> -> memref<32x128xf32, #tpu.memory_space<vmem>>
    %dma_start3A_159 = arith.constant 0 : i32
    %dma_start3A_160 = tpu.memref_slice %arg3[%dma_start3A_159, %multiple_of3A_147] : memref<32x1000001xf32, #tpu.memory_space<hbm>> -> memref<32x128xf32, #tpu.memory_space<hbm>>
    tpu.enqueue_dma source(%dma_start3A_160 : memref<32x128xf32, #tpu.memory_space<hbm>>) target(%dma_start3A_158 : memref<32x128xf32, #tpu.memory_space<vmem>>) target_semaphore(%arg12 : memref<!tpu.dma_semaphore, #tpu.memory_space<semaphore_mem>>)
    %shift_right_arithmetic3A_161 = arith.constant 7 : i32
    %shift_right_arithmetic3A_162 = vector.broadcast %shift_right_arithmetic3A_161 : i32 to vector<16xi32>
    %shift_right_arithmetic3A_163 = arith.shrsi %get3A_3, %shift_right_arithmetic3A_162 : vector<16xi32>
    %eq3A_164 = arith.constant 5 : i32
    %eq3A_165 = vector.broadcast %eq3A_164 : i32 to vector<16xi32>
    %eq3A_166 = arith.cmpi eq, %iota3A, %eq3A_165 : vector<16xi32>
    %jit3A_167 = arith.constant 0 : i32
    %broadcast_in_dim3A_168 = vector.broadcast %jit3A_167 : i32 to vector<16xi32>
    %select_n3A_169 = arith.select %eq3A_166, %shift_right_arithmetic3A_163, %broadcast_in_dim3A_168 : vector<16xi1>, vector<16xi32>
    %reduce_max3A_170 = arith.constant true
    %reduce_max3A_171 = vector.broadcast %reduce_max3A_170 : i1 to vector<16xi1>
    %reduce_max3A_172 = arith.constant -2147483648 : i32
    %reduce_max3A_173 = vector.broadcast %reduce_max3A_172 : i32 to vector<16xi32>
    %reduce_max3A_174 = arith.xori %select_n3A_169, %reduce_max3A_173 : vector<16xi32>
    %reduce_max3A_175 = tpu.scan <max>, %reduce_max3A_174 masked %reduce_max3A_171 : vector<16xi32>, vector<16xi1> -> vector<16xi32>
    %reduce_max3A_176 = arith.xori %reduce_max3A_175, %reduce_max3A_173 : vector<16xi32>
    %reduce_max3A_177 = vector.extract %reduce_max3A_176[15] : i32 from vector<16xi32>
    %mul3A_178 = arith.constant 128 : i32
    %mul3A_179 = arith.muli %reduce_max3A_177, %mul3A_178 : i32
    %multiple_of3A_180 = tpu.assume_multiple %mul3A_179, 128 : i32
    %dma_start3A_181 = arith.constant 5 : i32
    %dma_start3A_182 = arith.constant 0 : i32
    %dma_start3A_183 = arith.constant 0 : i32
    %dma_start3A_184 = tpu.memref_slice %arg7[%dma_start3A_181, %dma_start3A_182, %dma_start3A_183] : memref<16x32x128xf32, #tpu.memory_space<vmem>> -> memref<1x32x128xf32, #tpu.memory_space<vmem>>
    %dma_start3A_185 = tpu.memref_squeeze %dma_start3A_184 : memref<1x32x128xf32, #tpu.memory_space<vmem>> -> memref<32x128xf32, #tpu.memory_space<vmem>>
    %dma_start3A_186 = arith.constant 0 : i32
    %dma_start3A_187 = tpu.memref_slice %arg3[%dma_start3A_186, %multiple_of3A_180] : memref<32x1000001xf32, #tpu.memory_space<hbm>> -> memref<32x128xf32, #tpu.memory_space<hbm>>
    %dma_start3A_188 = arith.constant 0 : i32
    %dma_start3A_189 = arith.constant 0 : i32
    %dma_start3A_190 = tpu.memref_slice %arg7[%dma_start3A_181, %dma_start3A_188, %dma_start3A_189] : memref<16x32x128xf32, #tpu.memory_space<vmem>> -> memref<1x32x128xf32, #tpu.memory_space<vmem>>
    %dma_start3A_191 = tpu.memref_squeeze %dma_start3A_190 : memref<1x32x128xf32, #tpu.memory_space<vmem>> -> memref<32x128xf32, #tpu.memory_space<vmem>>
    %dma_start3A_192 = arith.constant 0 : i32
    %dma_start3A_193 = tpu.memref_slice %arg3[%dma_start3A_192, %multiple_of3A_180] : memref<32x1000001xf32, #tpu.memory_space<hbm>> -> memref<32x128xf32, #tpu.memory_space<hbm>>
    tpu.enqueue_dma source(%dma_start3A_193 : memref<32x128xf32, #tpu.memory_space<hbm>>) target(%dma_start3A_191 : memref<32x128xf32, #tpu.memory_space<vmem>>) target_semaphore(%arg13 : memref<!tpu.dma_semaphore, #tpu.memory_space<semaphore_mem>>)
    %shift_right_arithmetic3A_194 = arith.constant 7 : i32
    %shift_right_arithmetic3A_195 = vector.broadcast %shift_right_arithmetic3A_194 : i32 to vector<16xi32>
    %shift_right_arithmetic3A_196 = arith.shrsi %get3A_3, %shift_right_arithmetic3A_195 : vector<16xi32>
    %eq3A_197 = arith.constant 6 : i32
    %eq3A_198 = vector.broadcast %eq3A_197 : i32 to vector<16xi32>
    %eq3A_199 = arith.cmpi eq, %iota3A, %eq3A_198 : vector<16xi32>
    %jit3A_200 = arith.constant 0 : i32
    %broadcast_in_dim3A_201 = vector.broadcast %jit3A_200 : i32 to vector<16xi32>
    %select_n3A_202 = arith.select %eq3A_199, %shift_right_arithmetic3A_196, %broadcast_in_dim3A_201 : vector<16xi1>, vector<16xi32>
    %reduce_max3A_203 = arith.constant true
    %reduce_max3A_204 = vector.broadcast %reduce_max3A_203 : i1 to vector<16xi1>
    %reduce_max3A_205 = arith.constant -2147483648 : i32
    %reduce_max3A_206 = vector.broadcast %reduce_max3A_205 : i32 to vector<16xi32>
    %reduce_max3A_207 = arith.xori %select_n3A_202, %reduce_max3A_206 : vector<16xi32>
    %reduce_max3A_208 = tpu.scan <max>, %reduce_max3A_207 masked %reduce_max3A_204 : vector<16xi32>, vector<16xi1> -> vector<16xi32>
    %reduce_max3A_209 = arith.xori %reduce_max3A_208, %reduce_max3A_206 : vector<16xi32>
    %reduce_max3A_210 = vector.extract %reduce_max3A_209[15] : i32 from vector<16xi32>
    %mul3A_211 = arith.constant 128 : i32
    %mul3A_212 = arith.muli %reduce_max3A_210, %mul3A_211 : i32
    %multiple_of3A_213 = tpu.assume_multiple %mul3A_212, 128 : i32
    %dma_start3A_214 = arith.constant 6 : i32
    %dma_start3A_215 = arith.constant 0 : i32
    %dma_start3A_216 = arith.constant 0 : i32
    %dma_start3A_217 = tpu.memref_slice %arg7[%dma_start3A_214, %dma_start3A_215, %dma_start3A_216] : memref<16x32x128xf32, #tpu.memory_space<vmem>> -> memref<1x32x128xf32, #tpu.memory_space<vmem>>
    %dma_start3A_218 = tpu.memref_squeeze %dma_start3A_217 : memref<1x32x128xf32, #tpu.memory_space<vmem>> -> memref<32x128xf32, #tpu.memory_space<vmem>>
    %dma_start3A_219 = arith.constant 0 : i32
    %dma_start3A_220 = tpu.memref_slice %arg3[%dma_start3A_219, %multiple_of3A_213] : memref<32x1000001xf32, #tpu.memory_space<hbm>> -> memref<32x128xf32, #tpu.memory_space<hbm>>
    %dma_start3A_221 = arith.constant 0 : i32
    %dma_start3A_222 = arith.constant 0 : i32
    %dma_start3A_223 = tpu.memref_slice %arg7[%dma_start3A_214, %dma_start3A_221, %dma_start3A_222] : memref<16x32x128xf32, #tpu.memory_space<vmem>> -> memref<1x32x128xf32, #tpu.memory_space<vmem>>
    %dma_start3A_224 = tpu.memref_squeeze %dma_start3A_223 : memref<1x32x128xf32, #tpu.memory_space<vmem>> -> memref<32x128xf32, #tpu.memory_space<vmem>>
    %dma_start3A_225 = arith.constant 0 : i32
    %dma_start3A_226 = tpu.memref_slice %arg3[%dma_start3A_225, %multiple_of3A_213] : memref<32x1000001xf32, #tpu.memory_space<hbm>> -> memref<32x128xf32, #tpu.memory_space<hbm>>
    tpu.enqueue_dma source(%dma_start3A_226 : memref<32x128xf32, #tpu.memory_space<hbm>>) target(%dma_start3A_224 : memref<32x128xf32, #tpu.memory_space<vmem>>) target_semaphore(%arg14 : memref<!tpu.dma_semaphore, #tpu.memory_space<semaphore_mem>>)
    %shift_right_arithmetic3A_227 = arith.constant 7 : i32
    %shift_right_arithmetic3A_228 = vector.broadcast %shift_right_arithmetic3A_227 : i32 to vector<16xi32>
    %shift_right_arithmetic3A_229 = arith.shrsi %get3A_3, %shift_right_arithmetic3A_228 : vector<16xi32>
    %eq3A_230 = arith.constant 7 : i32
    %eq3A_231 = vector.broadcast %eq3A_230 : i32 to vector<16xi32>
    %eq3A_232 = arith.cmpi eq, %iota3A, %eq3A_231 : vector<16xi32>
    %jit3A_233 = arith.constant 0 : i32
    %broadcast_in_dim3A_234 = vector.broadcast %jit3A_233 : i32 to vector<16xi32>
    %select_n3A_235 = arith.select %eq3A_232, %shift_right_arithmetic3A_229, %broadcast_in_dim3A_234 : vector<16xi1>, vector<16xi32>
    %reduce_max3A_236 = arith.constant true
    %reduce_max3A_237 = vector.broadcast %reduce_max3A_236 : i1 to vector<16xi1>
    %reduce_max3A_238 = arith.constant -2147483648 : i32
    %reduce_max3A_239 = vector.broadcast %reduce_max3A_238 : i32 to vector<16xi32>
    %reduce_max3A_240 = arith.xori %select_n3A_235, %reduce_max3A_239 : vector<16xi32>
    %reduce_max3A_241 = tpu.scan <max>, %reduce_max3A_240 masked %reduce_max3A_237 : vector<16xi32>, vector<16xi1> -> vector<16xi32>
    %reduce_max3A_242 = arith.xori %reduce_max3A_241, %reduce_max3A_239 : vector<16xi32>
    %reduce_max3A_243 = vector.extract %reduce_max3A_242[15] : i32 from vector<16xi32>
    %mul3A_244 = arith.constant 128 : i32
    %mul3A_245 = arith.muli %reduce_max3A_243, %mul3A_244 : i32
    %multiple_of3A_246 = tpu.assume_multiple %mul3A_245, 128 : i32
    %dma_start3A_247 = arith.constant 7 : i32
    %dma_start3A_248 = arith.constant 0 : i32
    %dma_start3A_249 = arith.constant 0 : i32
    %dma_start3A_250 = tpu.memref_slice %arg7[%dma_start3A_247, %dma_start3A_248, %dma_start3A_249] : memref<16x32x128xf32, #tpu.memory_space<vmem>> -> memref<1x32x128xf32, #tpu.memory_space<vmem>>
    %dma_start3A_251 = tpu.memref_squeeze %dma_start3A_250 : memref<1x32x128xf32, #tpu.memory_space<vmem>> -> memref<32x128xf32, #tpu.memory_space<vmem>>
    %dma_start3A_252 = arith.constant 0 : i32
    %dma_start3A_253 = tpu.memref_slice %arg3[%dma_start3A_252, %multiple_of3A_246] : memref<32x1000001xf32, #tpu.memory_space<hbm>> -> memref<32x128xf32, #tpu.memory_space<hbm>>
    %dma_start3A_254 = arith.constant 0 : i32
    %dma_start3A_255 = arith.constant 0 : i32
    %dma_start3A_256 = tpu.memref_slice %arg7[%dma_start3A_247, %dma_start3A_254, %dma_start3A_255] : memref<16x32x128xf32, #tpu.memory_space<vmem>> -> memref<1x32x128xf32, #tpu.memory_space<vmem>>
    %dma_start3A_257 = tpu.memref_squeeze %dma_start3A_256 : memref<1x32x128xf32, #tpu.memory_space<vmem>> -> memref<32x128xf32, #tpu.memory_space<vmem>>
    %dma_start3A_258 = arith.constant 0 : i32
    %dma_start3A_259 = tpu.memref_slice %arg3[%dma_start3A_258, %multiple_of3A_246] : memref<32x1000001xf32, #tpu.memory_space<hbm>> -> memref<32x128xf32, #tpu.memory_space<hbm>>
    tpu.enqueue_dma source(%dma_start3A_259 : memref<32x128xf32, #tpu.memory_space<hbm>>) target(%dma_start3A_257 : memref<32x128xf32, #tpu.memory_space<vmem>>) target_semaphore(%arg15 : memref<!tpu.dma_semaphore, #tpu.memory_space<semaphore_mem>>)
    %scan3A = arith.constant 0 : i32
    %scan3A_260 = arith.constant 32 : i32
    %scan3A_261 = arith.addi %scan3A, %scan3A_260 : i32
    %scan3A_262 = arith.constant 1 : i32
    scf.for %scan3A_264 = %scan3A to %scan3A_261 step %scan3A_262  : i32 {
      %mul3A_265 = arith.constant 16 : i32
      %mul3A_266 = arith.muli %scan3A_264, %mul3A_265 : i32
      %get3A_267 = arith.index_cast %mul3A_266 : i32 to index
      %get3A_268 = tpu.vector_load %arg5[%get3A_267] {strides = array<i32>} : memref<512xi32, #tpu.memory_space<vmem>>, vector<16xi32>,
      %shift_right_arithmetic3A_269 = arith.constant 7 : i32
      %shift_right_arithmetic3A_270 = vector.broadcast %shift_right_arithmetic3A_269 : i32 to vector<16xi32>
      %shift_right_arithmetic3A_271 = arith.shrsi %get3A_268, %shift_right_arithmetic3A_270 : vector<16xi32>
      %eq3A_272 = arith.constant 8 : i32
      %eq3A_273 = vector.broadcast %eq3A_272 : i32 to vector<16xi32>
      %eq3A_274 = arith.cmpi eq, %iota3A, %eq3A_273 : vector<16xi32>
      %jit3A_275 = arith.constant 0 : i32
      %broadcast_in_dim3A_276 = vector.broadcast %jit3A_275 : i32 to vector<16xi32>
      %select_n3A_277 = arith.select %eq3A_274, %shift_right_arithmetic3A_271, %broadcast_in_dim3A_276 : vector<16xi1>, vector<16xi32>
      %reduce_max3A_278 = arith.constant true
      %reduce_max3A_279 = vector.broadcast %reduce_max3A_278 : i1 to vector<16xi1>
      %reduce_max3A_280 = arith.constant -2147483648 : i32
      %reduce_max3A_281 = vector.broadcast %reduce_max3A_280 : i32 to vector<16xi32>
      %reduce_max3A_282 = arith.xori %select_n3A_277, %reduce_max3A_281 : vector<16xi32>
      %reduce_max3A_283 = tpu.scan <max>, %reduce_max3A_282 masked %reduce_max3A_279 : vector<16xi32>, vector<16xi1> -> vector<16xi32>
      %reduce_max3A_284 = arith.xori %reduce_max3A_283, %reduce_max3A_281 : vector<16xi32>
      %reduce_max3A_285 = vector.extract %reduce_max3A_284[15] : i32 from vector<16xi32>
      %mul3A_286 = arith.constant 128 : i32
      %mul3A_287 = arith.muli %reduce_max3A_285, %mul3A_286 : i32
      %multiple_of3A_288 = tpu.assume_multiple %mul3A_287, 128 : i32
      %dma_start3A_289 = arith.constant 8 : i32
      %dma_start3A_290 = arith.constant 0 : i32
      %dma_start3A_291 = arith.constant 0 : i32
      %dma_start3A_292 = tpu.memref_slice %arg7[%dma_start3A_289, %dma_start3A_290, %dma_start3A_291] : memref<16x32x128xf32, #tpu.memory_space<vmem>> -> memref<1x32x128xf32, #tpu.memory_space<vmem>>
      %dma_start3A_293 = tpu.memref_squeeze %dma_start3A_292 : memref<1x32x128xf32, #tpu.memory_space<vmem>> -> memref<32x128xf32, #tpu.memory_space<vmem>>
      %dma_start3A_294 = arith.constant 0 : i32
      %dma_start3A_295 = tpu.memref_slice %arg3[%dma_start3A_294, %multiple_of3A_288] : memref<32x1000001xf32, #tpu.memory_space<hbm>> -> memref<32x128xf32, #tpu.memory_space<hbm>>
      %dma_start3A_296 = arith.constant 0 : i32
      %dma_start3A_297 = arith.constant 0 : i32
      %dma_start3A_298 = tpu.memref_slice %arg7[%dma_start3A_289, %dma_start3A_296, %dma_start3A_297] : memref<16x32x128xf32, #tpu.memory_space<vmem>> -> memref<1x32x128xf32, #tpu.memory_space<vmem>>
      %dma_start3A_299 = tpu.memref_squeeze %dma_start3A_298 : memref<1x32x128xf32, #tpu.memory_space<vmem>> -> memref<32x128xf32, #tpu.memory_space<vmem>>
      %dma_start3A_300 = arith.constant 0 : i32
      %dma_start3A_301 = tpu.memref_slice %arg3[%dma_start3A_300, %multiple_of3A_288] : memref<32x1000001xf32, #tpu.memory_space<hbm>> -> memref<32x128xf32, #tpu.memory_space<hbm>>
      tpu.enqueue_dma source(%dma_start3A_301 : memref<32x128xf32, #tpu.memory_space<hbm>>) target(%dma_start3A_299 : memref<32x128xf32, #tpu.memory_space<vmem>>) target_semaphore(%arg16 : memref<!tpu.dma_semaphore, #tpu.memory_space<semaphore_mem>>)
      %shift_right_arithmetic3A_302 = arith.constant 7 : i32
      %shift_right_arithmetic3A_303 = vector.broadcast %shift_right_arithmetic3A_302 : i32 to vector<16xi32>
      %shift_right_arithmetic3A_304 = arith.shrsi %get3A_268, %shift_right_arithmetic3A_303 : vector<16xi32>
      %eq3A_305 = arith.constant 9 : i32
      %eq3A_306 = vector.broadcast %eq3A_305 : i32 to vector<16xi32>
      %eq3A_307 = arith.cmpi eq, %iota3A, %eq3A_306 : vector<16xi32>
      %jit3A_308 = arith.constant 0 : i32
      %broadcast_in_dim3A_309 = vector.broadcast %jit3A_308 : i32 to vector<16xi32>
      %select_n3A_310 = arith.select %eq3A_307, %shift_right_arithmetic3A_304, %broadcast_in_dim3A_309 : vector<16xi1>, vector<16xi32>
      %reduce_max3A_311 = arith.constant true
      %reduce_max3A_312 = vector.broadcast %reduce_max3A_311 : i1 to vector<16xi1>
      %reduce_max3A_313 = arith.constant -2147483648 : i32
      %reduce_max3A_314 = vector.broadcast %reduce_max3A_313 : i32 to vector<16xi32>
      %reduce_max3A_315 = arith.xori %select_n3A_310, %reduce_max3A_314 : vector<16xi32>
      %reduce_max3A_316 = tpu.scan <max>, %reduce_max3A_315 masked %reduce_max3A_312 : vector<16xi32>, vector<16xi1> -> vector<16xi32>
      %reduce_max3A_317 = arith.xori %reduce_max3A_316, %reduce_max3A_314 : vector<16xi32>
      %reduce_max3A_318 = vector.extract %reduce_max3A_317[15] : i32 from vector<16xi32>
      %mul3A_319 = arith.constant 128 : i32
      %mul3A_320 = arith.muli %reduce_max3A_318, %mul3A_319 : i32
      %multiple_of3A_321 = tpu.assume_multiple %mul3A_320, 128 : i32
      %dma_start3A_322 = arith.constant 9 : i32
      %dma_start3A_323 = arith.constant 0 : i32
      %dma_start3A_324 = arith.constant 0 : i32
      %dma_start3A_325 = tpu.memref_slice %arg7[%dma_start3A_322, %dma_start3A_323, %dma_start3A_324] : memref<16x32x128xf32, #tpu.memory_space<vmem>> -> memref<1x32x128xf32, #tpu.memory_space<vmem>>
      %dma_start3A_326 = tpu.memref_squeeze %dma_start3A_325 : memref<1x32x128xf32, #tpu.memory_space<vmem>> -> memref<32x128xf32, #tpu.memory_space<vmem>>
      %dma_start3A_327 = arith.constant 0 : i32
      %dma_start3A_328 = tpu.memref_slice %arg3[%dma_start3A_327, %multiple_of3A_321] : memref<32x1000001xf32, #tpu.memory_space<hbm>> -> memref<32x128xf32, #tpu.memory_space<hbm>>
      %dma_start3A_329 = arith.constant 0 : i32
      %dma_start3A_330 = arith.constant 0 : i32
      %dma_start3A_331 = tpu.memref_slice %arg7[%dma_start3A_322, %dma_start3A_329, %dma_start3A_330] : memref<16x32x128xf32, #tpu.memory_space<vmem>> -> memref<1x32x128xf32, #tpu.memory_space<vmem>>
      %dma_start3A_332 = tpu.memref_squeeze %dma_start3A_331 : memref<1x32x128xf32, #tpu.memory_space<vmem>> -> memref<32x128xf32, #tpu.memory_space<vmem>>
      %dma_start3A_333 = arith.constant 0 : i32
      %dma_start3A_334 = tpu.memref_slice %arg3[%dma_start3A_333, %multiple_of3A_321] : memref<32x1000001xf32, #tpu.memory_space<hbm>> -> memref<32x128xf32, #tpu.memory_space<hbm>>
      tpu.enqueue_dma source(%dma_start3A_334 : memref<32x128xf32, #tpu.memory_space<hbm>>) target(%dma_start3A_332 : memref<32x128xf32, #tpu.memory_space<vmem>>) target_semaphore(%arg17 : memref<!tpu.dma_semaphore, #tpu.memory_space<semaphore_mem>>)
      %shift_right_arithmetic3A_335 = arith.constant 7 : i32
      %shift_right_arithmetic3A_336 = vector.broadcast %shift_right_arithmetic3A_335 : i32 to vector<16xi32>
      %shift_right_arithmetic3A_337 = arith.shrsi %get3A_268, %shift_right_arithmetic3A_336 : vector<16xi32>
      %eq3A_338 = arith.constant 10 : i32
      %eq3A_339 = vector.broadcast %eq3A_338 : i32 to vector<16xi32>
      %eq3A_340 = arith.cmpi eq, %iota3A, %eq3A_339 : vector<16xi32>
      %jit3A_341 = arith.constant 0 : i32
      %broadcast_in_dim3A_342 = vector.broadcast %jit3A_341 : i32 to vector<16xi32>
      %select_n3A_343 = arith.select %eq3A_340, %shift_right_arithmetic3A_337, %broadcast_in_dim3A_342 : vector<16xi1>, vector<16xi32>
      %reduce_max3A_344 = arith.constant true
      %reduce_max3A_345 = vector.broadcast %reduce_max3A_344 : i1 to vector<16xi1>
      %reduce_max3A_346 = arith.constant -2147483648 : i32
      %reduce_max3A_347 = vector.broadcast %reduce_max3A_346 : i32 to vector<16xi32>
      %reduce_max3A_348 = arith.xori %select_n3A_343, %reduce_max3A_347 : vector<16xi32>
      %reduce_max3A_349 = tpu.scan <max>, %reduce_max3A_348 masked %reduce_max3A_345 : vector<16xi32>, vector<16xi1> -> vector<16xi32>
      %reduce_max3A_350 = arith.xori %reduce_max3A_349, %reduce_max3A_347 : vector<16xi32>
      %reduce_max3A_351 = vector.extract %reduce_max3A_350[15] : i32 from vector<16xi32>
      %mul3A_352 = arith.constant 128 : i32
      %mul3A_353 = arith.muli %reduce_max3A_351, %mul3A_352 : i32
      %multiple_of3A_354 = tpu.assume_multiple %mul3A_353, 128 : i32
      %dma_start3A_355 = arith.constant 10 : i32
      %dma_start3A_356 = arith.constant 0 : i32
      %dma_start3A_357 = arith.constant 0 : i32
      %dma_start3A_358 = tpu.memref_slice %arg7[%dma_start3A_355, %dma_start3A_356, %dma_start3A_357] : memref<16x32x128xf32, #tpu.memory_space<vmem>> -> memref<1x32x128xf32, #tpu.memory_space<vmem>>
      %dma_start3A_359 = tpu.memref_squeeze %dma_start3A_358 : memref<1x32x128xf32, #tpu.memory_space<vmem>> -> memref<32x128xf32, #tpu.memory_space<vmem>>
      %dma_start3A_360 = arith.constant 0 : i32
      %dma_start3A_361 = tpu.memref_slice %arg3[%dma_start3A_360, %multiple_of3A_354] : memref<32x1000001xf32, #tpu.memory_space<hbm>> -> memref<32x128xf32, #tpu.memory_space<hbm>>
      %dma_start3A_362 = arith.constant 0 : i32
      %dma_start3A_363 = arith.constant 0 : i32
      %dma_start3A_364 = tpu.memref_slice %arg7[%dma_start3A_355, %dma_start3A_362, %dma_start3A_363] : memref<16x32x128xf32, #tpu.memory_space<vmem>> -> memref<1x32x128xf32, #tpu.memory_space<vmem>>
      %dma_start3A_365 = tpu.memref_squeeze %dma_start3A_364 : memref<1x32x128xf32, #tpu.memory_space<vmem>> -> memref<32x128xf32, #tpu.memory_space<vmem>>
      %dma_start3A_366 = arith.constant 0 : i32
      %dma_start3A_367 = tpu.memref_slice %arg3[%dma_start3A_366, %multiple_of3A_354] : memref<32x1000001xf32, #tpu.memory_space<hbm>> -> memref<32x128xf32, #tpu.memory_space<hbm>>
      tpu.enqueue_dma source(%dma_start3A_367 : memref<32x128xf32, #tpu.memory_space<hbm>>) target(%dma_start3A_365 : memref<32x128xf32, #tpu.memory_space<vmem>>) target_semaphore(%arg18 : memref<!tpu.dma_semaphore, #tpu.memory_space<semaphore_mem>>)
      %shift_right_arithmetic3A_368 = arith.constant 7 : i32
      %shift_right_arithmetic3A_369 = vector.broadcast %shift_right_arithmetic3A_368 : i32 to vector<16xi32>
      %shift_right_arithmetic3A_370 = arith.shrsi %get3A_268, %shift_right_arithmetic3A_369 : vector<16xi32>
      %eq3A_371 = arith.constant 11 : i32
      %eq3A_372 = vector.broadcast %eq3A_371 : i32 to vector<16xi32>
      %eq3A_373 = arith.cmpi eq, %iota3A, %eq3A_372 : vector<16xi32>
      %jit3A_374 = arith.constant 0 : i32
      %broadcast_in_dim3A_375 = vector.broadcast %jit3A_374 : i32 to vector<16xi32>
      %select_n3A_376 = arith.select %eq3A_373, %shift_right_arithmetic3A_370, %broadcast_in_dim3A_375 : vector<16xi1>, vector<16xi32>
      %reduce_max3A_377 = arith.constant true
      %reduce_max3A_378 = vector.broadcast %reduce_max3A_377 : i1 to vector<16xi1>
      %reduce_max3A_379 = arith.constant -2147483648 : i32
      %reduce_max3A_380 = vector.broadcast %reduce_max3A_379 : i32 to vector<16xi32>
      %reduce_max3A_381 = arith.xori %select_n3A_376, %reduce_max3A_380 : vector<16xi32>
      %reduce_max3A_382 = tpu.scan <max>, %reduce_max3A_381 masked %reduce_max3A_378 : vector<16xi32>, vector<16xi1> -> vector<16xi32>
      %reduce_max3A_383 = arith.xori %reduce_max3A_382, %reduce_max3A_380 : vector<16xi32>
      %reduce_max3A_384 = vector.extract %reduce_max3A_383[15] : i32 from vector<16xi32>
      %mul3A_385 = arith.constant 128 : i32
      %mul3A_386 = arith.muli %reduce_max3A_384, %mul3A_385 : i32
      %multiple_of3A_387 = tpu.assume_multiple %mul3A_386, 128 : i32
      %dma_start3A_388 = arith.constant 11 : i32
      %dma_start3A_389 = arith.constant 0 : i32
      %dma_start3A_390 = arith.constant 0 : i32
      %dma_start3A_391 = tpu.memref_slice %arg7[%dma_start3A_388, %dma_start3A_389, %dma_start3A_390] : memref<16x32x128xf32, #tpu.memory_space<vmem>> -> memref<1x32x128xf32, #tpu.memory_space<vmem>>
      %dma_start3A_392 = tpu.memref_squeeze %dma_start3A_391 : memref<1x32x128xf32, #tpu.memory_space<vmem>> -> memref<32x128xf32, #tpu.memory_space<vmem>>
      %dma_start3A_393 = arith.constant 0 : i32
      %dma_start3A_394 = tpu.memref_slice %arg3[%dma_start3A_393, %multiple_of3A_387] : memref<32x1000001xf32, #tpu.memory_space<hbm>> -> memref<32x128xf32, #tpu.memory_space<hbm>>
      %dma_start3A_395 = arith.constant 0 : i32
      %dma_start3A_396 = arith.constant 0 : i32
      %dma_start3A_397 = tpu.memref_slice %arg7[%dma_start3A_388, %dma_start3A_395, %dma_start3A_396] : memref<16x32x128xf32, #tpu.memory_space<vmem>> -> memref<1x32x128xf32, #tpu.memory_space<vmem>>
      %dma_start3A_398 = tpu.memref_squeeze %dma_start3A_397 : memref<1x32x128xf32, #tpu.memory_space<vmem>> -> memref<32x128xf32, #tpu.memory_space<vmem>>
      %dma_start3A_399 = arith.constant 0 : i32
      %dma_start3A_400 = tpu.memref_slice %arg3[%dma_start3A_399, %multiple_of3A_387] : memref<32x1000001xf32, #tpu.memory_space<hbm>> -> memref<32x128xf32, #tpu.memory_space<hbm>>
      tpu.enqueue_dma source(%dma_start3A_400 : memref<32x128xf32, #tpu.memory_space<hbm>>) target(%dma_start3A_398 : memref<32x128xf32, #tpu.memory_space<vmem>>) target_semaphore(%arg19 : memref<!tpu.dma_semaphore, #tpu.memory_space<semaphore_mem>>)
      %shift_right_arithmetic3A_401 = arith.constant 7 : i32
      %shift_right_arithmetic3A_402 = vector.broadcast %shift_right_arithmetic3A_401 : i32 to vector<16xi32>
      %shift_right_arithmetic3A_403 = arith.shrsi %get3A_268, %shift_right_arithmetic3A_402 : vector<16xi32>
      %eq3A_404 = arith.constant 12 : i32
      %eq3A_405 = vector.broadcast %eq3A_404 : i32 to vector<16xi32>
      %eq3A_406 = arith.cmpi eq, %iota3A, %eq3A_405 : vector<16xi32>
      %jit3A_407 = arith.constant 0 : i32
      %broadcast_in_dim3A_408 = vector.broadcast %jit3A_407 : i32 to vector<16xi32>
      %select_n3A_409 = arith.select %eq3A_406, %shift_right_arithmetic3A_403, %broadcast_in_dim3A_408 : vector<16xi1>, vector<16xi32>
      %reduce_max3A_410 = arith.constant true
      %reduce_max3A_411 = vector.broadcast %reduce_max3A_410 : i1 to vector<16xi1>
      %reduce_max3A_412 = arith.constant -2147483648 : i32
      %reduce_max3A_413 = vector.broadcast %reduce_max3A_412 : i32 to vector<16xi32>
      %reduce_max3A_414 = arith.xori %select_n3A_409, %reduce_max3A_413 : vector<16xi32>
      %reduce_max3A_415 = tpu.scan <max>, %reduce_max3A_414 masked %reduce_max3A_411 : vector<16xi32>, vector<16xi1> -> vector<16xi32>
      %reduce_max3A_416 = arith.xori %reduce_max3A_415, %reduce_max3A_413 : vector<16xi32>
      %reduce_max3A_417 = vector.extract %reduce_max3A_416[15] : i32 from vector<16xi32>
      %mul3A_418 = arith.constant 128 : i32
      %mul3A_419 = arith.muli %reduce_max3A_417, %mul3A_418 : i32
      %multiple_of3A_420 = tpu.assume_multiple %mul3A_419, 128 : i32
      %dma_start3A_421 = arith.constant 12 : i32
      %dma_start3A_422 = arith.constant 0 : i32
      %dma_start3A_423 = arith.constant 0 : i32
      %dma_start3A_424 = tpu.memref_slice %arg7[%dma_start3A_421, %dma_start3A_422, %dma_start3A_423] : memref<16x32x128xf32, #tpu.memory_space<vmem>> -> memref<1x32x128xf32, #tpu.memory_space<vmem>>
      %dma_start3A_425 = tpu.memref_squeeze %dma_start3A_424 : memref<1x32x128xf32, #tpu.memory_space<vmem>> -> memref<32x128xf32, #tpu.memory_space<vmem>>
      %dma_start3A_426 = arith.constant 0 : i32
      %dma_start3A_427 = tpu.memref_slice %arg3[%dma_start3A_426, %multiple_of3A_420] : memref<32x1000001xf32, #tpu.memory_space<hbm>> -> memref<32x128xf32, #tpu.memory_space<hbm>>
      %dma_start3A_428 = arith.constant 0 : i32
      %dma_start3A_429 = arith.constant 0 : i32
      %dma_start3A_430 = tpu.memref_slice %arg7[%dma_start3A_421, %dma_start3A_428, %dma_start3A_429] : memref<16x32x128xf32, #tpu.memory_space<vmem>> -> memref<1x32x128xf32, #tpu.memory_space<vmem>>
      %dma_start3A_431 = tpu.memref_squeeze %dma_start3A_430 : memref<1x32x128xf32, #tpu.memory_space<vmem>> -> memref<32x128xf32, #tpu.memory_space<vmem>>
      %dma_start3A_432 = arith.constant 0 : i32
      %dma_start3A_433 = tpu.memref_slice %arg3[%dma_start3A_432, %multiple_of3A_420] : memref<32x1000001xf32, #tpu.memory_space<hbm>> -> memref<32x128xf32, #tpu.memory_space<hbm>>
      tpu.enqueue_dma source(%dma_start3A_433 : memref<32x128xf32, #tpu.memory_space<hbm>>) target(%dma_start3A_431 : memref<32x128xf32, #tpu.memory_space<vmem>>) target_semaphore(%arg20 : memref<!tpu.dma_semaphore, #tpu.memory_space<semaphore_mem>>)
      %shift_right_arithmetic3A_434 = arith.constant 7 : i32
      %shift_right_arithmetic3A_435 = vector.broadcast %shift_right_arithmetic3A_434 : i32 to vector<16xi32>
      %shift_right_arithmetic3A_436 = arith.shrsi %get3A_268, %shift_right_arithmetic3A_435 : vector<16xi32>
      %eq3A_437 = arith.constant 13 : i32
      %eq3A_438 = vector.broadcast %eq3A_437 : i32 to vector<16xi32>
      %eq3A_439 = arith.cmpi eq, %iota3A, %eq3A_438 : vector<16xi32>
      %jit3A_440 = arith.constant 0 : i32
      %broadcast_in_dim3A_441 = vector.broadcast %jit3A_440 : i32 to vector<16xi32>
      %select_n3A_442 = arith.select %eq3A_439, %shift_right_arithmetic3A_436, %broadcast_in_dim3A_441 : vector<16xi1>, vector<16xi32>
      %reduce_max3A_443 = arith.constant true
      %reduce_max3A_444 = vector.broadcast %reduce_max3A_443 : i1 to vector<16xi1>
      %reduce_max3A_445 = arith.constant -2147483648 : i32
      %reduce_max3A_446 = vector.broadcast %reduce_max3A_445 : i32 to vector<16xi32>
      %reduce_max3A_447 = arith.xori %select_n3A_442, %reduce_max3A_446 : vector<16xi32>
      %reduce_max3A_448 = tpu.scan <max>, %reduce_max3A_447 masked %reduce_max3A_444 : vector<16xi32>, vector<16xi1> -> vector<16xi32>
      %reduce_max3A_449 = arith.xori %reduce_max3A_448, %reduce_max3A_446 : vector<16xi32>
      %reduce_max3A_450 = vector.extract %reduce_max3A_449[15] : i32 from vector<16xi32>
      %mul3A_451 = arith.constant 128 : i32
      %mul3A_452 = arith.muli %reduce_max3A_450, %mul3A_451 : i32
      %multiple_of3A_453 = tpu.assume_multiple %mul3A_452, 128 : i32
      %dma_start3A_454 = arith.constant 13 : i32
      %dma_start3A_455 = arith.constant 0 : i32
      %dma_start3A_456 = arith.constant 0 : i32
      %dma_start3A_457 = tpu.memref_slice %arg7[%dma_start3A_454, %dma_start3A_455, %dma_start3A_456] : memref<16x32x128xf32, #tpu.memory_space<vmem>> -> memref<1x32x128xf32, #tpu.memory_space<vmem>>
      %dma_start3A_458 = tpu.memref_squeeze %dma_start3A_457 : memref<1x32x128xf32, #tpu.memory_space<vmem>> -> memref<32x128xf32, #tpu.memory_space<vmem>>
      %dma_start3A_459 = arith.constant 0 : i32
      %dma_start3A_460 = tpu.memref_slice %arg3[%dma_start3A_459, %multiple_of3A_453] : memref<32x1000001xf32, #tpu.memory_space<hbm>> -> memref<32x128xf32, #tpu.memory_space<hbm>>
      %dma_start3A_461 = arith.constant 0 : i32
      %dma_start3A_462 = arith.constant 0 : i32
      %dma_start3A_463 = tpu.memref_slice %arg7[%dma_start3A_454, %dma_start3A_461, %dma_start3A_462] : memref<16x32x128xf32, #tpu.memory_space<vmem>> -> memref<1x32x128xf32, #tpu.memory_space<vmem>>
      %dma_start3A_464 = tpu.memref_squeeze %dma_start3A_463 : memref<1x32x128xf32, #tpu.memory_space<vmem>> -> memref<32x128xf32, #tpu.memory_space<vmem>>
      %dma_start3A_465 = arith.constant 0 : i32
      %dma_start3A_466 = tpu.memref_slice %arg3[%dma_start3A_465, %multiple_of3A_453] : memref<32x1000001xf32, #tpu.memory_space<hbm>> -> memref<32x128xf32, #tpu.memory_space<hbm>>
      tpu.enqueue_dma source(%dma_start3A_466 : memref<32x128xf32, #tpu.memory_space<hbm>>) target(%dma_start3A_464 : memref<32x128xf32, #tpu.memory_space<vmem>>) target_semaphore(%arg21 : memref<!tpu.dma_semaphore, #tpu.memory_space<semaphore_mem>>)
      %shift_right_arithmetic3A_467 = arith.constant 7 : i32
      %shift_right_arithmetic3A_468 = vector.broadcast %shift_right_arithmetic3A_467 : i32 to vector<16xi32>
      %shift_right_arithmetic3A_469 = arith.shrsi %get3A_268, %shift_right_arithmetic3A_468 : vector<16xi32>
      %eq3A_470 = arith.constant 14 : i32
      %eq3A_471 = vector.broadcast %eq3A_470 : i32 to vector<16xi32>
      %eq3A_472 = arith.cmpi eq, %iota3A, %eq3A_471 : vector<16xi32>
      %jit3A_473 = arith.constant 0 : i32
      %broadcast_in_dim3A_474 = vector.broadcast %jit3A_473 : i32 to vector<16xi32>
      %select_n3A_475 = arith.select %eq3A_472, %shift_right_arithmetic3A_469, %broadcast_in_dim3A_474 : vector<16xi1>, vector<16xi32>
      %reduce_max3A_476 = arith.constant true
      %reduce_max3A_477 = vector.broadcast %reduce_max3A_476 : i1 to vector<16xi1>
      %reduce_max3A_478 = arith.constant -2147483648 : i32
      %reduce_max3A_479 = vector.broadcast %reduce_max3A_478 : i32 to vector<16xi32>
      %reduce_max3A_480 = arith.xori %select_n3A_475, %reduce_max3A_479 : vector<16xi32>
      %reduce_max3A_481 = tpu.scan <max>, %reduce_max3A_480 masked %reduce_max3A_477 : vector<16xi32>, vector<16xi1> -> vector<16xi32>
      %reduce_max3A_482 = arith.xori %reduce_max3A_481, %reduce_max3A_479 : vector<16xi32>
      %reduce_max3A_483 = vector.extract %reduce_max3A_482[15] : i32 from vector<16xi32>
      %mul3A_484 = arith.constant 128 : i32
      %mul3A_485 = arith.muli %reduce_max3A_483, %mul3A_484 : i32
      %multiple_of3A_486 = tpu.assume_multiple %mul3A_485, 128 : i32
      %dma_start3A_487 = arith.constant 14 : i32
      %dma_start3A_488 = arith.constant 0 : i32
      %dma_start3A_489 = arith.constant 0 : i32
      %dma_start3A_490 = tpu.memref_slice %arg7[%dma_start3A_487, %dma_start3A_488, %dma_start3A_489] : memref<16x32x128xf32, #tpu.memory_space<vmem>> -> memref<1x32x128xf32, #tpu.memory_space<vmem>>
      %dma_start3A_491 = tpu.memref_squeeze %dma_start3A_490 : memref<1x32x128xf32, #tpu.memory_space<vmem>> -> memref<32x128xf32, #tpu.memory_space<vmem>>
      %dma_start3A_492 = arith.constant 0 : i32
      %dma_start3A_493 = tpu.memref_slice %arg3[%dma_start3A_492, %multiple_of3A_486] : memref<32x1000001xf32, #tpu.memory_space<hbm>> -> memref<32x128xf32, #tpu.memory_space<hbm>>
      %dma_start3A_494 = arith.constant 0 : i32
      %dma_start3A_495 = arith.constant 0 : i32
      %dma_start3A_496 = tpu.memref_slice %arg7[%dma_start3A_487, %dma_start3A_494, %dma_start3A_495] : memref<16x32x128xf32, #tpu.memory_space<vmem>> -> memref<1x32x128xf32, #tpu.memory_space<vmem>>
      %dma_start3A_497 = tpu.memref_squeeze %dma_start3A_496 : memref<1x32x128xf32, #tpu.memory_space<vmem>> -> memref<32x128xf32, #tpu.memory_space<vmem>>
      %dma_start3A_498 = arith.constant 0 : i32
      %dma_start3A_499 = tpu.memref_slice %arg3[%dma_start3A_498, %multiple_of3A_486] : memref<32x1000001xf32, #tpu.memory_space<hbm>> -> memref<32x128xf32, #tpu.memory_space<hbm>>
      tpu.enqueue_dma source(%dma_start3A_499 : memref<32x128xf32, #tpu.memory_space<hbm>>) target(%dma_start3A_497 : memref<32x128xf32, #tpu.memory_space<vmem>>) target_semaphore(%arg22 : memref<!tpu.dma_semaphore, #tpu.memory_space<semaphore_mem>>)
      %shift_right_arithmetic3A_500 = arith.constant 7 : i32
      %shift_right_arithmetic3A_501 = vector.broadcast %shift_right_arithmetic3A_500 : i32 to vector<16xi32>
      %shift_right_arithmetic3A_502 = arith.shrsi %get3A_268, %shift_right_arithmetic3A_501 : vector<16xi32>
      %eq3A_503 = arith.constant 15 : i32
      %eq3A_504 = vector.broadcast %eq3A_503 : i32 to vector<16xi32>
      %eq3A_505 = arith.cmpi eq, %iota3A, %eq3A_504 : vector<16xi32>
      %jit3A_506 = arith.constant 0 : i32
      %broadcast_in_dim3A_507 = vector.broadcast %jit3A_506 : i32 to vector<16xi32>
      %select_n3A_508 = arith.select %eq3A_505, %shift_right_arithmetic3A_502, %broadcast_in_dim3A_507 : vector<16xi1>, vector<16xi32>
      %reduce_max3A_509 = arith.constant true
      %reduce_max3A_510 = vector.broadcast %reduce_max3A_509 : i1 to vector<16xi1>
      %reduce_max3A_511 = arith.constant -2147483648 : i32
      %reduce_max3A_512 = vector.broadcast %reduce_max3A_511 : i32 to vector<16xi32>
      %reduce_max3A_513 = arith.xori %select_n3A_508, %reduce_max3A_512 : vector<16xi32>
      %reduce_max3A_514 = tpu.scan <max>, %reduce_max3A_513 masked %reduce_max3A_510 : vector<16xi32>, vector<16xi1> -> vector<16xi32>
      %reduce_max3A_515 = arith.xori %reduce_max3A_514, %reduce_max3A_512 : vector<16xi32>
      %reduce_max3A_516 = vector.extract %reduce_max3A_515[15] : i32 from vector<16xi32>
      %mul3A_517 = arith.constant 128 : i32
      %mul3A_518 = arith.muli %reduce_max3A_516, %mul3A_517 : i32
      %multiple_of3A_519 = tpu.assume_multiple %mul3A_518, 128 : i32
      %dma_start3A_520 = arith.constant 15 : i32
      %dma_start3A_521 = arith.constant 0 : i32
      %dma_start3A_522 = arith.constant 0 : i32
      %dma_start3A_523 = tpu.memref_slice %arg7[%dma_start3A_520, %dma_start3A_521, %dma_start3A_522] : memref<16x32x128xf32, #tpu.memory_space<vmem>> -> memref<1x32x128xf32, #tpu.memory_space<vmem>>
      %dma_start3A_524 = tpu.memref_squeeze %dma_start3A_523 : memref<1x32x128xf32, #tpu.memory_space<vmem>> -> memref<32x128xf32, #tpu.memory_space<vmem>>
      %dma_start3A_525 = arith.constant 0 : i32
      %dma_start3A_526 = tpu.memref_slice %arg3[%dma_start3A_525, %multiple_of3A_519] : memref<32x1000001xf32, #tpu.memory_space<hbm>> -> memref<32x128xf32, #tpu.memory_space<hbm>>
      %dma_start3A_527 = arith.constant 0 : i32
      %dma_start3A_528 = arith.constant 0 : i32
      %dma_start3A_529 = tpu.memref_slice %arg7[%dma_start3A_520, %dma_start3A_527, %dma_start3A_528] : memref<16x32x128xf32, #tpu.memory_space<vmem>> -> memref<1x32x128xf32, #tpu.memory_space<vmem>>
      %dma_start3A_530 = tpu.memref_squeeze %dma_start3A_529 : memref<1x32x128xf32, #tpu.memory_space<vmem>> -> memref<32x128xf32, #tpu.memory_space<vmem>>
      %dma_start3A_531 = arith.constant 0 : i32
      %dma_start3A_532 = tpu.memref_slice %arg3[%dma_start3A_531, %multiple_of3A_519] : memref<32x1000001xf32, #tpu.memory_space<hbm>> -> memref<32x128xf32, #tpu.memory_space<hbm>>
      tpu.enqueue_dma source(%dma_start3A_532 : memref<32x128xf32, #tpu.memory_space<hbm>>) target(%dma_start3A_530 : memref<32x128xf32, #tpu.memory_space<vmem>>) target_semaphore(%arg23 : memref<!tpu.dma_semaphore, #tpu.memory_space<semaphore_mem>>)
      %dma_wait3A = arith.constant 0 : i32
      %dma_wait3A_533 = arith.constant 0 : i32
      %dma_wait3A_534 = arith.constant 0 : i32
      %dma_wait3A_535 = tpu.memref_slice %arg7[%dma_wait3A, %dma_wait3A_533, %dma_wait3A_534] : memref<16x32x128xf32, #tpu.memory_space<vmem>> -> memref<1x32x128xf32, #tpu.memory_space<vmem>>
      %dma_wait3A_536 = tpu.memref_squeeze %dma_wait3A_535 : memref<1x32x128xf32, #tpu.memory_space<vmem>> -> memref<32x128xf32, #tpu.memory_space<vmem>>
      %dma_wait3A_537 = arith.constant 0 : i32
      %dma_wait3A_538 = arith.constant 0 : i32
      %dma_wait3A_539 = tpu.memref_slice %arg3[%dma_wait3A_537, %dma_wait3A_538] : memref<32x1000001xf32, #tpu.memory_space<hbm>> -> memref<32x128xf32, #tpu.memory_space<hbm>>
      %dma_wait3A_540 = arith.constant 0 : i32
      %dma_wait3A_541 = arith.constant 0 : i32
      %dma_wait3A_542 = tpu.memref_slice %arg7[%dma_wait3A, %dma_wait3A_540, %dma_wait3A_541] : memref<16x32x128xf32, #tpu.memory_space<vmem>> -> memref<1x32x128xf32, #tpu.memory_space<vmem>>
      %dma_wait3A_543 = tpu.memref_squeeze %dma_wait3A_542 : memref<1x32x128xf32, #tpu.memory_space<vmem>> -> memref<32x128xf32, #tpu.memory_space<vmem>>
      %dma_wait3A_544 = arith.constant 0 : i32
      %dma_wait3A_545 = arith.constant 0 : i32
      %dma_wait3A_546 = tpu.memref_slice %arg3[%dma_wait3A_544, %dma_wait3A_545] : memref<32x1000001xf32, #tpu.memory_space<hbm>> -> memref<32x128xf32, #tpu.memory_space<hbm>>
      tpu.wait_dma2 semaphore(%arg8 : memref<!tpu.dma_semaphore, #tpu.memory_space<semaphore_mem>>) src(%dma_wait3A_546 : memref<32x128xf32, #tpu.memory_space<hbm>>) dst(%dma_wait3A_543 : memref<32x128xf32, #tpu.memory_space<vmem>>)
      %dma_wait3A_547 = arith.constant 1 : i32
      %dma_wait3A_548 = arith.constant 0 : i32
      %dma_wait3A_549 = arith.constant 0 : i32
      %dma_wait3A_550 = tpu.memref_slice %arg7[%dma_wait3A_547, %dma_wait3A_548, %dma_wait3A_549] : memref<16x32x128xf32, #tpu.memory_space<vmem>> -> memref<1x32x128xf32, #tpu.memory_space<vmem>>
      %dma_wait3A_551 = tpu.memref_squeeze %dma_wait3A_550 : memref<1x32x128xf32, #tpu.memory_space<vmem>> -> memref<32x128xf32, #tpu.memory_space<vmem>>
      %dma_wait3A_552 = arith.constant 0 : i32
      %dma_wait3A_553 = arith.constant 0 : i32
      %dma_wait3A_554 = tpu.memref_slice %arg3[%dma_wait3A_552, %dma_wait3A_553] : memref<32x1000001xf32, #tpu.memory_space<hbm>> -> memref<32x128xf32, #tpu.memory_space<hbm>>
      %dma_wait3A_555 = arith.constant 0 : i32
      %dma_wait3A_556 = arith.constant 0 : i32
      %dma_wait3A_557 = tpu.memref_slice %arg7[%dma_wait3A_547, %dma_wait3A_555, %dma_wait3A_556] : memref<16x32x128xf32, #tpu.memory_space<vmem>> -> memref<1x32x128xf32, #tpu.memory_space<vmem>>
      %dma_wait3A_558 = tpu.memref_squeeze %dma_wait3A_557 : memref<1x32x128xf32, #tpu.memory_space<vmem>> -> memref<32x128xf32, #tpu.memory_space<vmem>>
      %dma_wait3A_559 = arith.constant 0 : i32
      %dma_wait3A_560 = arith.constant 0 : i32
      %dma_wait3A_561 = tpu.memref_slice %arg3[%dma_wait3A_559, %dma_wait3A_560] : memref<32x1000001xf32, #tpu.memory_space<hbm>> -> memref<32x128xf32, #tpu.memory_space<hbm>>
      tpu.wait_dma2 semaphore(%arg9 : memref<!tpu.dma_semaphore, #tpu.memory_space<semaphore_mem>>) src(%dma_wait3A_561 : memref<32x128xf32, #tpu.memory_space<hbm>>) dst(%dma_wait3A_558 : memref<32x128xf32, #tpu.memory_space<vmem>>)
      %dma_wait3A_562 = arith.constant 2 : i32
      %dma_wait3A_563 = arith.constant 0 : i32
      %dma_wait3A_564 = arith.constant 0 : i32
      %dma_wait3A_565 = tpu.memref_slice %arg7[%dma_wait3A_562, %dma_wait3A_563, %dma_wait3A_564] : memref<16x32x128xf32, #tpu.memory_space<vmem>> -> memref<1x32x128xf32, #tpu.memory_space<vmem>>
      %dma_wait3A_566 = tpu.memref_squeeze %dma_wait3A_565 : memref<1x32x128xf32, #tpu.memory_space<vmem>> -> memref<32x128xf32, #tpu.memory_space<vmem>>
      %dma_wait3A_567 = arith.constant 0 : i32
      %dma_wait3A_568 = arith.constant 0 : i32
      %dma_wait3A_569 = tpu.memref_slice %arg3[%dma_wait3A_567, %dma_wait3A_568] : memref<32x1000001xf32, #tpu.memory_space<hbm>> -> memref<32x128xf32, #tpu.memory_space<hbm>>
      %dma_wait3A_570 = arith.constant 0 : i32
      %dma_wait3A_571 = arith.constant 0 : i32
      %dma_wait3A_572 = tpu.memref_slice %arg7[%dma_wait3A_562, %dma_wait3A_570, %dma_wait3A_571] : memref<16x32x128xf32, #tpu.memory_space<vmem>> -> memref<1x32x128xf32, #tpu.memory_space<vmem>>
      %dma_wait3A_573 = tpu.memref_squeeze %dma_wait3A_572 : memref<1x32x128xf32, #tpu.memory_space<vmem>> -> memref<32x128xf32, #tpu.memory_space<vmem>>
      %dma_wait3A_574 = arith.constant 0 : i32
      %dma_wait3A_575 = arith.constant 0 : i32
      %dma_wait3A_576 = tpu.memref_slice %arg3[%dma_wait3A_574, %dma_wait3A_575] : memref<32x1000001xf32, #tpu.memory_space<hbm>> -> memref<32x128xf32, #tpu.memory_space<hbm>>
      tpu.wait_dma2 semaphore(%arg10 : memref<!tpu.dma_semaphore, #tpu.memory_space<semaphore_mem>>) src(%dma_wait3A_576 : memref<32x128xf32, #tpu.memory_space<hbm>>) dst(%dma_wait3A_573 : memref<32x128xf32, #tpu.memory_space<vmem>>)
      %dma_wait3A_577 = arith.constant 3 : i32
      %dma_wait3A_578 = arith.constant 0 : i32
      %dma_wait3A_579 = arith.constant 0 : i32
      %dma_wait3A_580 = tpu.memref_slice %arg7[%dma_wait3A_577, %dma_wait3A_578, %dma_wait3A_579] : memref<16x32x128xf32, #tpu.memory_space<vmem>> -> memref<1x32x128xf32, #tpu.memory_space<vmem>>
      %dma_wait3A_581 = tpu.memref_squeeze %dma_wait3A_580 : memref<1x32x128xf32, #tpu.memory_space<vmem>> -> memref<32x128xf32, #tpu.memory_space<vmem>>
      %dma_wait3A_582 = arith.constant 0 : i32
      %dma_wait3A_583 = arith.constant 0 : i32
      %dma_wait3A_584 = tpu.memref_slice %arg3[%dma_wait3A_582, %dma_wait3A_583] : memref<32x1000001xf32, #tpu.memory_space<hbm>> -> memref<32x128xf32, #tpu.memory_space<hbm>>
      %dma_wait3A_585 = arith.constant 0 : i32
      %dma_wait3A_586 = arith.constant 0 : i32
      %dma_wait3A_587 = tpu.memref_slice %arg7[%dma_wait3A_577, %dma_wait3A_585, %dma_wait3A_586] : memref<16x32x128xf32, #tpu.memory_space<vmem>> -> memref<1x32x128xf32, #tpu.memory_space<vmem>>
      %dma_wait3A_588 = tpu.memref_squeeze %dma_wait3A_587 : memref<1x32x128xf32, #tpu.memory_space<vmem>> -> memref<32x128xf32, #tpu.memory_space<vmem>>
      %dma_wait3A_589 = arith.constant 0 : i32
      %dma_wait3A_590 = arith.constant 0 : i32
      %dma_wait3A_591 = tpu.memref_slice %arg3[%dma_wait3A_589, %dma_wait3A_590] : memref<32x1000001xf32, #tpu.memory_space<hbm>> -> memref<32x128xf32, #tpu.memory_space<hbm>>
      tpu.wait_dma2 semaphore(%arg11 : memref<!tpu.dma_semaphore, #tpu.memory_space<semaphore_mem>>) src(%dma_wait3A_591 : memref<32x128xf32, #tpu.memory_space<hbm>>) dst(%dma_wait3A_588 : memref<32x128xf32, #tpu.memory_space<vmem>>)
      %dma_wait3A_592 = arith.constant 4 : i32
      %dma_wait3A_593 = arith.constant 0 : i32
      %dma_wait3A_594 = arith.constant 0 : i32
      %dma_wait3A_595 = tpu.memref_slice %arg7[%dma_wait3A_592, %dma_wait3A_593, %dma_wait3A_594] : memref<16x32x128xf32, #tpu.memory_space<vmem>> -> memref<1x32x128xf32, #tpu.memory_space<vmem>>
      %dma_wait3A_596 = tpu.memref_squeeze %dma_wait3A_595 : memref<1x32x128xf32, #tpu.memory_space<vmem>> -> memref<32x128xf32, #tpu.memory_space<vmem>>
      %dma_wait3A_597 = arith.constant 0 : i32
      %dma_wait3A_598 = arith.constant 0 : i32
      %dma_wait3A_599 = tpu.memref_slice %arg3[%dma_wait3A_597, %dma_wait3A_598] : memref<32x1000001xf32, #tpu.memory_space<hbm>> -> memref<32x128xf32, #tpu.memory_space<hbm>>
      %dma_wait3A_600 = arith.constant 0 : i32
      %dma_wait3A_601 = arith.constant 0 : i32
      %dma_wait3A_602 = tpu.memref_slice %arg7[%dma_wait3A_592, %dma_wait3A_600, %dma_wait3A_601] : memref<16x32x128xf32, #tpu.memory_space<vmem>> -> memref<1x32x128xf32, #tpu.memory_space<vmem>>
      %dma_wait3A_603 = tpu.memref_squeeze %dma_wait3A_602 : memref<1x32x128xf32, #tpu.memory_space<vmem>> -> memref<32x128xf32, #tpu.memory_space<vmem>>
      %dma_wait3A_604 = arith.constant 0 : i32
      %dma_wait3A_605 = arith.constant 0 : i32
      %dma_wait3A_606 = tpu.memref_slice %arg3[%dma_wait3A_604, %dma_wait3A_605] : memref<32x1000001xf32, #tpu.memory_space<hbm>> -> memref<32x128xf32, #tpu.memory_space<hbm>>
      tpu.wait_dma2 semaphore(%arg12 : memref<!tpu.dma_semaphore, #tpu.memory_space<semaphore_mem>>) src(%dma_wait3A_606 : memref<32x128xf32, #tpu.memory_space<hbm>>) dst(%dma_wait3A_603 : memref<32x128xf32, #tpu.memory_space<vmem>>)
      %dma_wait3A_607 = arith.constant 5 : i32
      %dma_wait3A_608 = arith.constant 0 : i32
      %dma_wait3A_609 = arith.constant 0 : i32
      %dma_wait3A_610 = tpu.memref_slice %arg7[%dma_wait3A_607, %dma_wait3A_608, %dma_wait3A_609] : memref<16x32x128xf32, #tpu.memory_space<vmem>> -> memref<1x32x128xf32, #tpu.memory_space<vmem>>
      %dma_wait3A_611 = tpu.memref_squeeze %dma_wait3A_610 : memref<1x32x128xf32, #tpu.memory_space<vmem>> -> memref<32x128xf32, #tpu.memory_space<vmem>>
      %dma_wait3A_612 = arith.constant 0 : i32
      %dma_wait3A_613 = arith.constant 0 : i32
      %dma_wait3A_614 = tpu.memref_slice %arg3[%dma_wait3A_612, %dma_wait3A_613] : memref<32x1000001xf32, #tpu.memory_space<hbm>> -> memref<32x128xf32, #tpu.memory_space<hbm>>
      %dma_wait3A_615 = arith.constant 0 : i32
      %dma_wait3A_616 = arith.constant 0 : i32
      %dma_wait3A_617 = tpu.memref_slice %arg7[%dma_wait3A_607, %dma_wait3A_615, %dma_wait3A_616] : memref<16x32x128xf32, #tpu.memory_space<vmem>> -> memref<1x32x128xf32, #tpu.memory_space<vmem>>
      %dma_wait3A_618 = tpu.memref_squeeze %dma_wait3A_617 : memref<1x32x128xf32, #tpu.memory_space<vmem>> -> memref<32x128xf32, #tpu.memory_space<vmem>>
      %dma_wait3A_619 = arith.constant 0 : i32
      %dma_wait3A_620 = arith.constant 0 : i32
      %dma_wait3A_621 = tpu.memref_slice %arg3[%dma_wait3A_619, %dma_wait3A_620] : memref<32x1000001xf32, #tpu.memory_space<hbm>> -> memref<32x128xf32, #tpu.memory_space<hbm>>
      tpu.wait_dma2 semaphore(%arg13 : memref<!tpu.dma_semaphore, #tpu.memory_space<semaphore_mem>>) src(%dma_wait3A_621 : memref<32x128xf32, #tpu.memory_space<hbm>>) dst(%dma_wait3A_618 : memref<32x128xf32, #tpu.memory_space<vmem>>)
      %dma_wait3A_622 = arith.constant 6 : i32
      %dma_wait3A_623 = arith.constant 0 : i32
      %dma_wait3A_624 = arith.constant 0 : i32
      %dma_wait3A_625 = tpu.memref_slice %arg7[%dma_wait3A_622, %dma_wait3A_623, %dma_wait3A_624] : memref<16x32x128xf32, #tpu.memory_space<vmem>> -> memref<1x32x128xf32, #tpu.memory_space<vmem>>
      %dma_wait3A_626 = tpu.memref_squeeze %dma_wait3A_625 : memref<1x32x128xf32, #tpu.memory_space<vmem>> -> memref<32x128xf32, #tpu.memory_space<vmem>>
      %dma_wait3A_627 = arith.constant 0 : i32
      %dma_wait3A_628 = arith.constant 0 : i32
      %dma_wait3A_629 = tpu.memref_slice %arg3[%dma_wait3A_627, %dma_wait3A_628] : memref<32x1000001xf32, #tpu.memory_space<hbm>> -> memref<32x128xf32, #tpu.memory_space<hbm>>
      %dma_wait3A_630 = arith.constant 0 : i32
      %dma_wait3A_631 = arith.constant 0 : i32
      %dma_wait3A_632 = tpu.memref_slice %arg7[%dma_wait3A_622, %dma_wait3A_630, %dma_wait3A_631] : memref<16x32x128xf32, #tpu.memory_space<vmem>> -> memref<1x32x128xf32, #tpu.memory_space<vmem>>
      %dma_wait3A_633 = tpu.memref_squeeze %dma_wait3A_632 : memref<1x32x128xf32, #tpu.memory_space<vmem>> -> memref<32x128xf32, #tpu.memory_space<vmem>>
      %dma_wait3A_634 = arith.constant 0 : i32
      %dma_wait3A_635 = arith.constant 0 : i32
      %dma_wait3A_636 = tpu.memref_slice %arg3[%dma_wait3A_634, %dma_wait3A_635] : memref<32x1000001xf32, #tpu.memory_space<hbm>> -> memref<32x128xf32, #tpu.memory_space<hbm>>
      tpu.wait_dma2 semaphore(%arg14 : memref<!tpu.dma_semaphore, #tpu.memory_space<semaphore_mem>>) src(%dma_wait3A_636 : memref<32x128xf32, #tpu.memory_space<hbm>>) dst(%dma_wait3A_633 : memref<32x128xf32, #tpu.memory_space<vmem>>)
      %dma_wait3A_637 = arith.constant 7 : i32
      %dma_wait3A_638 = arith.constant 0 : i32
      %dma_wait3A_639 = arith.constant 0 : i32
      %dma_wait3A_640 = tpu.memref_slice %arg7[%dma_wait3A_637, %dma_wait3A_638, %dma_wait3A_639] : memref<16x32x128xf32, #tpu.memory_space<vmem>> -> memref<1x32x128xf32, #tpu.memory_space<vmem>>
      %dma_wait3A_641 = tpu.memref_squeeze %dma_wait3A_640 : memref<1x32x128xf32, #tpu.memory_space<vmem>> -> memref<32x128xf32, #tpu.memory_space<vmem>>
      %dma_wait3A_642 = arith.constant 0 : i32
      %dma_wait3A_643 = arith.constant 0 : i32
      %dma_wait3A_644 = tpu.memref_slice %arg3[%dma_wait3A_642, %dma_wait3A_643] : memref<32x1000001xf32, #tpu.memory_space<hbm>> -> memref<32x128xf32, #tpu.memory_space<hbm>>
      %dma_wait3A_645 = arith.constant 0 : i32
      %dma_wait3A_646 = arith.constant 0 : i32
      %dma_wait3A_647 = tpu.memref_slice %arg7[%dma_wait3A_637, %dma_wait3A_645, %dma_wait3A_646] : memref<16x32x128xf32, #tpu.memory_space<vmem>> -> memref<1x32x128xf32, #tpu.memory_space<vmem>>
      %dma_wait3A_648 = tpu.memref_squeeze %dma_wait3A_647 : memref<1x32x128xf32, #tpu.memory_space<vmem>> -> memref<32x128xf32, #tpu.memory_space<vmem>>
      %dma_wait3A_649 = arith.constant 0 : i32
      %dma_wait3A_650 = arith.constant 0 : i32
      %dma_wait3A_651 = tpu.memref_slice %arg3[%dma_wait3A_649, %dma_wait3A_650] : memref<32x1000001xf32, #tpu.memory_space<hbm>> -> memref<32x128xf32, #tpu.memory_space<hbm>>
      tpu.wait_dma2 semaphore(%arg15 : memref<!tpu.dma_semaphore, #tpu.memory_space<semaphore_mem>>) src(%dma_wait3A_651 : memref<32x128xf32, #tpu.memory_space<hbm>>) dst(%dma_wait3A_648 : memref<32x128xf32, #tpu.memory_space<vmem>>)
      %lt3A = arith.constant 8 : i32
      %lt3A_652 = vector.broadcast %lt3A : i32 to vector<16xi32>
      %lt3A_653 = arith.cmpi slt, %iota3A, %lt3A_652 : vector<16xi32>
      %and3A = arith.constant 127 : i32
      %and3A_654 = vector.broadcast %and3A : i32 to vector<16xi32>
      %and3A_655 = arith.andi %get3A_268, %and3A_654 : vector<16xi32>
      %mul3A_656 = arith.constant 16 : i32
      %mul3A_657 = arith.muli %scan3A_264, %mul3A_656 : i32
      %add3A_658 = vector.broadcast %mul3A_657 : i32 to vector<16xi32>
      %add3A_659 = arith.addi %add3A_658, %iota3A : vector<16xi32>
      %broadcast_in_dim3A_660 = arith.constant 0 : i32
      %broadcast_in_dim3A_661 = vector.broadcast %broadcast_in_dim3A_660 : i32 to vector<16xi32>
      %gather3A = tpu.vector_load_idx %arg7[%iota3A, %broadcast_in_dim3A_661, %and3A_655] : memref<16x32x128xf32, #tpu.memory_space<vmem>>[vector<16xi32>, vector<16xi32>, vector<16xi32>], vector<16xf32>,
      tpu.vector_store_idx %arg6[%broadcast_in_dim3A_661, %add3A_659], %gather3A masked %lt3A_653 : memref<32x512xf32, #tpu.memory_space<vmem>>[vector<16xi32>, vector<16xi32>], vector<16xf32>, vector<16xi1>
      %broadcast_in_dim3A_662 = arith.constant 1 : i32
      %broadcast_in_dim3A_663 = vector.broadcast %broadcast_in_dim3A_662 : i32 to vector<16xi32>
      %gather3A_664 = tpu.vector_load_idx %arg7[%iota3A, %broadcast_in_dim3A_663, %and3A_655] : memref<16x32x128xf32, #tpu.memory_space<vmem>>[vector<16xi32>, vector<16xi32>, vector<16xi32>], vector<16xf32>,
      tpu.vector_store_idx %arg6[%broadcast_in_dim3A_663, %add3A_659], %gather3A_664 masked %lt3A_653 : memref<32x512xf32, #tpu.memory_space<vmem>>[vector<16xi32>, vector<16xi32>], vector<16xf32>, vector<16xi1>
      %broadcast_in_dim3A_665 = arith.constant 2 : i32
      %broadcast_in_dim3A_666 = vector.broadcast %broadcast_in_dim3A_665 : i32 to vector<16xi32>
      %gather3A_667 = tpu.vector_load_idx %arg7[%iota3A, %broadcast_in_dim3A_666, %and3A_655] : memref<16x32x128xf32, #tpu.memory_space<vmem>>[vector<16xi32>, vector<16xi32>, vector<16xi32>], vector<16xf32>,
      tpu.vector_store_idx %arg6[%broadcast_in_dim3A_666, %add3A_659], %gather3A_667 masked %lt3A_653 : memref<32x512xf32, #tpu.memory_space<vmem>>[vector<16xi32>, vector<16xi32>], vector<16xf32>, vector<16xi1>
      %broadcast_in_dim3A_668 = arith.constant 3 : i32
      %broadcast_in_dim3A_669 = vector.broadcast %broadcast_in_dim3A_668 : i32 to vector<16xi32>
      %gather3A_670 = tpu.vector_load_idx %arg7[%iota3A, %broadcast_in_dim3A_669, %and3A_655] : memref<16x32x128xf32, #tpu.memory_space<vmem>>[vector<16xi32>, vector<16xi32>, vector<16xi32>], vector<16xf32>,
      tpu.vector_store_idx %arg6[%broadcast_in_dim3A_669, %add3A_659], %gather3A_670 masked %lt3A_653 : memref<32x512xf32, #tpu.memory_space<vmem>>[vector<16xi32>, vector<16xi32>], vector<16xf32>, vector<16xi1>
      %broadcast_in_dim3A_671 = arith.constant 4 : i32
      %broadcast_in_dim3A_672 = vector.broadcast %broadcast_in_dim3A_671 : i32 to vector<16xi32>
      %gather3A_673 = tpu.vector_load_idx %arg7[%iota3A, %broadcast_in_dim3A_672, %and3A_655] : memref<16x32x128xf32, #tpu.memory_space<vmem>>[vector<16xi32>, vector<16xi32>, vector<16xi32>], vector<16xf32>,
      tpu.vector_store_idx %arg6[%broadcast_in_dim3A_672, %add3A_659], %gather3A_673 masked %lt3A_653 : memref<32x512xf32, #tpu.memory_space<vmem>>[vector<16xi32>, vector<16xi32>], vector<16xf32>, vector<16xi1>
      %broadcast_in_dim3A_674 = arith.constant 5 : i32
      %broadcast_in_dim3A_675 = vector.broadcast %broadcast_in_dim3A_674 : i32 to vector<16xi32>
      %gather3A_676 = tpu.vector_load_idx %arg7[%iota3A, %broadcast_in_dim3A_675, %and3A_655] : memref<16x32x128xf32, #tpu.memory_space<vmem>>[vector<16xi32>, vector<16xi32>, vector<16xi32>], vector<16xf32>,
      tpu.vector_store_idx %arg6[%broadcast_in_dim3A_675, %add3A_659], %gather3A_676 masked %lt3A_653 : memref<32x512xf32, #tpu.memory_space<vmem>>[vector<16xi32>, vector<16xi32>], vector<16xf32>, vector<16xi1>
      %broadcast_in_dim3A_677 = arith.constant 6 : i32
      %broadcast_in_dim3A_678 = vector.broadcast %broadcast_in_dim3A_677 : i32 to vector<16xi32>
      %gather3A_679 = tpu.vector_load_idx %arg7[%iota3A, %broadcast_in_dim3A_678, %and3A_655] : memref<16x32x128xf32, #tpu.memory_space<vmem>>[vector<16xi32>, vector<16xi32>, vector<16xi32>], vector<16xf32>,
      tpu.vector_store_idx %arg6[%broadcast_in_dim3A_678, %add3A_659], %gather3A_679 masked %lt3A_653 : memref<32x512xf32, #tpu.memory_space<vmem>>[vector<16xi32>, vector<16xi32>], vector<16xf32>, vector<16xi1>
      %broadcast_in_dim3A_680 = arith.constant 7 : i32
      %broadcast_in_dim3A_681 = vector.broadcast %broadcast_in_dim3A_680 : i32 to vector<16xi32>
      %gather3A_682 = tpu.vector_load_idx %arg7[%iota3A, %broadcast_in_dim3A_681, %and3A_655] : memref<16x32x128xf32, #tpu.memory_space<vmem>>[vector<16xi32>, vector<16xi32>, vector<16xi32>], vector<16xf32>,
      tpu.vector_store_idx %arg6[%broadcast_in_dim3A_681, %add3A_659], %gather3A_682 masked %lt3A_653 : memref<32x512xf32, #tpu.memory_space<vmem>>[vector<16xi32>, vector<16xi32>], vector<16xf32>, vector<16xi1>
      %broadcast_in_dim3A_683 = arith.constant 8 : i32
      %broadcast_in_dim3A_684 = vector.broadcast %broadcast_in_dim3A_683 : i32 to vector<16xi32>
      %gather3A_685 = tpu.vector_load_idx %arg7[%iota3A, %broadcast_in_dim3A_684, %and3A_655] : memref<16x32x128xf32, #tpu.memory_space<vmem>>[vector<16xi32>, vector<16xi32>, vector<16xi32>], vector<16xf32>,
      tpu.vector_store_idx %arg6[%broadcast_in_dim3A_684, %add3A_659], %gather3A_685 masked %lt3A_653 : memref<32x512xf32, #tpu.memory_space<vmem>>[vector<16xi32>, vector<16xi32>], vector<16xf32>, vector<16xi1>
      %broadcast_in_dim3A_686 = arith.constant 9 : i32
      %broadcast_in_dim3A_687 = vector.broadcast %broadcast_in_dim3A_686 : i32 to vector<16xi32>
      %gather3A_688 = tpu.vector_load_idx %arg7[%iota3A, %broadcast_in_dim3A_687, %and3A_655] : memref<16x32x128xf32, #tpu.memory_space<vmem>>[vector<16xi32>, vector<16xi32>, vector<16xi32>], vector<16xf32>,
      tpu.vector_store_idx %arg6[%broadcast_in_dim3A_687, %add3A_659], %gather3A_688 masked %lt3A_653 : memref<32x512xf32, #tpu.memory_space<vmem>>[vector<16xi32>, vector<16xi32>], vector<16xf32>, vector<16xi1>
      %broadcast_in_dim3A_689 = arith.constant 10 : i32
      %broadcast_in_dim3A_690 = vector.broadcast %broadcast_in_dim3A_689 : i32 to vector<16xi32>
      %gather3A_691 = tpu.vector_load_idx %arg7[%iota3A, %broadcast_in_dim3A_690, %and3A_655] : memref<16x32x128xf32, #tpu.memory_space<vmem>>[vector<16xi32>, vector<16xi32>, vector<16xi32>], vector<16xf32>,
      tpu.vector_store_idx %arg6[%broadcast_in_dim3A_690, %add3A_659], %gather3A_691 masked %lt3A_653 : memref<32x512xf32, #tpu.memory_space<vmem>>[vector<16xi32>, vector<16xi32>], vector<16xf32>, vector<16xi1>
      %broadcast_in_dim3A_692 = arith.constant 11 : i32
      %broadcast_in_dim3A_693 = vector.broadcast %broadcast_in_dim3A_692 : i32 to vector<16xi32>
      %gather3A_694 = tpu.vector_load_idx %arg7[%iota3A, %broadcast_in_dim3A_693, %and3A_655] : memref<16x32x128xf32, #tpu.memory_space<vmem>>[vector<16xi32>, vector<16xi32>, vector<16xi32>], vector<16xf32>,
      tpu.vector_store_idx %arg6[%broadcast_in_dim3A_693, %add3A_659], %gather3A_694 masked %lt3A_653 : memref<32x512xf32, #tpu.memory_space<vmem>>[vector<16xi32>, vector<16xi32>], vector<16xf32>, vector<16xi1>
      %broadcast_in_dim3A_695 = arith.constant 12 : i32
      %broadcast_in_dim3A_696 = vector.broadcast %broadcast_in_dim3A_695 : i32 to vector<16xi32>
      %gather3A_697 = tpu.vector_load_idx %arg7[%iota3A, %broadcast_in_dim3A_696, %and3A_655] : memref<16x32x128xf32, #tpu.memory_space<vmem>>[vector<16xi32>, vector<16xi32>, vector<16xi32>], vector<16xf32>,
      tpu.vector_store_idx %arg6[%broadcast_in_dim3A_696, %add3A_659], %gather3A_697 masked %lt3A_653 : memref<32x512xf32, #tpu.memory_space<vmem>>[vector<16xi32>, vector<16xi32>], vector<16xf32>, vector<16xi1>
      %broadcast_in_dim3A_698 = arith.constant 13 : i32
      %broadcast_in_dim3A_699 = vector.broadcast %broadcast_in_dim3A_698 : i32 to vector<16xi32>
      %gather3A_700 = tpu.vector_load_idx %arg7[%iota3A, %broadcast_in_dim3A_699, %and3A_655] : memref<16x32x128xf32, #tpu.memory_space<vmem>>[vector<16xi32>, vector<16xi32>, vector<16xi32>], vector<16xf32>,
      tpu.vector_store_idx %arg6[%broadcast_in_dim3A_699, %add3A_659], %gather3A_700 masked %lt3A_653 : memref<32x512xf32, #tpu.memory_space<vmem>>[vector<16xi32>, vector<16xi32>], vector<16xf32>, vector<16xi1>
      %broadcast_in_dim3A_701 = arith.constant 14 : i32
      %broadcast_in_dim3A_702 = vector.broadcast %broadcast_in_dim3A_701 : i32 to vector<16xi32>
      %gather3A_703 = tpu.vector_load_idx %arg7[%iota3A, %broadcast_in_dim3A_702, %and3A_655] : memref<16x32x128xf32, #tpu.memory_space<vmem>>[vector<16xi32>, vector<16xi32>, vector<16xi32>], vector<16xf32>,
      tpu.vector_store_idx %arg6[%broadcast_in_dim3A_702, %add3A_659], %gather3A_703 masked %lt3A_653 : memref<32x512xf32, #tpu.memory_space<vmem>>[vector<16xi32>, vector<16xi32>], vector<16xf32>, vector<16xi1>
      %broadcast_in_dim3A_704 = arith.constant 15 : i32
      %broadcast_in_dim3A_705 = vector.broadcast %broadcast_in_dim3A_704 : i32 to vector<16xi32>
      %gather3A_706 = tpu.vector_load_idx %arg7[%iota3A, %broadcast_in_dim3A_705, %and3A_655] : memref<16x32x128xf32, #tpu.memory_space<vmem>>[vector<16xi32>, vector<16xi32>, vector<16xi32>], vector<16xf32>,
      tpu.vector_store_idx %arg6[%broadcast_in_dim3A_705, %add3A_659], %gather3A_706 masked %lt3A_653 : memref<32x512xf32, #tpu.memory_space<vmem>>[vector<16xi32>, vector<16xi32>], vector<16xf32>, vector<16xi1>
      %broadcast_in_dim3A_707 = arith.constant 16 : i32
      %broadcast_in_dim3A_708 = vector.broadcast %broadcast_in_dim3A_707 : i32 to vector<16xi32>
      %gather3A_709 = tpu.vector_load_idx %arg7[%iota3A, %broadcast_in_dim3A_708, %and3A_655] : memref<16x32x128xf32, #tpu.memory_space<vmem>>[vector<16xi32>, vector<16xi32>, vector<16xi32>], vector<16xf32>,
      tpu.vector_store_idx %arg6[%broadcast_in_dim3A_708, %add3A_659], %gather3A_709 masked %lt3A_653 : memref<32x512xf32, #tpu.memory_space<vmem>>[vector<16xi32>, vector<16xi32>], vector<16xf32>, vector<16xi1>
      %broadcast_in_dim3A_710 = arith.constant 17 : i32
      %broadcast_in_dim3A_711 = vector.broadcast %broadcast_in_dim3A_710 : i32 to vector<16xi32>
      %gather3A_712 = tpu.vector_load_idx %arg7[%iota3A, %broadcast_in_dim3A_711, %and3A_655] : memref<16x32x128xf32, #tpu.memory_space<vmem>>[vector<16xi32>, vector<16xi32>, vector<16xi32>], vector<16xf32>,
      tpu.vector_store_idx %arg6[%broadcast_in_dim3A_711, %add3A_659], %gather3A_712 masked %lt3A_653 : memref<32x512xf32, #tpu.memory_space<vmem>>[vector<16xi32>, vector<16xi32>], vector<16xf32>, vector<16xi1>
      %broadcast_in_dim3A_713 = arith.constant 18 : i32
      %broadcast_in_dim3A_714 = vector.broadcast %broadcast_in_dim3A_713 : i32 to vector<16xi32>
      %gather3A_715 = tpu.vector_load_idx %arg7[%iota3A, %broadcast_in_dim3A_714, %and3A_655] : memref<16x32x128xf32, #tpu.memory_space<vmem>>[vector<16xi32>, vector<16xi32>, vector<16xi32>], vector<16xf32>,
      tpu.vector_store_idx %arg6[%broadcast_in_dim3A_714, %add3A_659], %gather3A_715 masked %lt3A_653 : memref<32x512xf32, #tpu.memory_space<vmem>>[vector<16xi32>, vector<16xi32>], vector<16xf32>, vector<16xi1>
      %broadcast_in_dim3A_716 = arith.constant 19 : i32
      %broadcast_in_dim3A_717 = vector.broadcast %broadcast_in_dim3A_716 : i32 to vector<16xi32>
      %gather3A_718 = tpu.vector_load_idx %arg7[%iota3A, %broadcast_in_dim3A_717, %and3A_655] : memref<16x32x128xf32, #tpu.memory_space<vmem>>[vector<16xi32>, vector<16xi32>, vector<16xi32>], vector<16xf32>,
      tpu.vector_store_idx %arg6[%broadcast_in_dim3A_717, %add3A_659], %gather3A_718 masked %lt3A_653 : memref<32x512xf32, #tpu.memory_space<vmem>>[vector<16xi32>, vector<16xi32>], vector<16xf32>, vector<16xi1>
      %broadcast_in_dim3A_719 = arith.constant 20 : i32
      %broadcast_in_dim3A_720 = vector.broadcast %broadcast_in_dim3A_719 : i32 to vector<16xi32>
      %gather3A_721 = tpu.vector_load_idx %arg7[%iota3A, %broadcast_in_dim3A_720, %and3A_655] : memref<16x32x128xf32, #tpu.memory_space<vmem>>[vector<16xi32>, vector<16xi32>, vector<16xi32>], vector<16xf32>,
      tpu.vector_store_idx %arg6[%broadcast_in_dim3A_720, %add3A_659], %gather3A_721 masked %lt3A_653 : memref<32x512xf32, #tpu.memory_space<vmem>>[vector<16xi32>, vector<16xi32>], vector<16xf32>, vector<16xi1>
      %broadcast_in_dim3A_722 = arith.constant 21 : i32
      %broadcast_in_dim3A_723 = vector.broadcast %broadcast_in_dim3A_722 : i32 to vector<16xi32>
      %gather3A_724 = tpu.vector_load_idx %arg7[%iota3A, %broadcast_in_dim3A_723, %and3A_655] : memref<16x32x128xf32, #tpu.memory_space<vmem>>[vector<16xi32>, vector<16xi32>, vector<16xi32>], vector<16xf32>,
      tpu.vector_store_idx %arg6[%broadcast_in_dim3A_723, %add3A_659], %gather3A_724 masked %lt3A_653 : memref<32x512xf32, #tpu.memory_space<vmem>>[vector<16xi32>, vector<16xi32>], vector<16xf32>, vector<16xi1>
      %broadcast_in_dim3A_725 = arith.constant 22 : i32
      %broadcast_in_dim3A_726 = vector.broadcast %broadcast_in_dim3A_725 : i32 to vector<16xi32>
      %gather3A_727 = tpu.vector_load_idx %arg7[%iota3A, %broadcast_in_dim3A_726, %and3A_655] : memref<16x32x128xf32, #tpu.memory_space<vmem>>[vector<16xi32>, vector<16xi32>, vector<16xi32>], vector<16xf32>,
      tpu.vector_store_idx %arg6[%broadcast_in_dim3A_726, %add3A_659], %gather3A_727 masked %lt3A_653 : memref<32x512xf32, #tpu.memory_space<vmem>>[vector<16xi32>, vector<16xi32>], vector<16xf32>, vector<16xi1>
      %broadcast_in_dim3A_728 = arith.constant 23 : i32
      %broadcast_in_dim3A_729 = vector.broadcast %broadcast_in_dim3A_728 : i32 to vector<16xi32>
      %gather3A_730 = tpu.vector_load_idx %arg7[%iota3A, %broadcast_in_dim3A_729, %and3A_655] : memref<16x32x128xf32, #tpu.memory_space<vmem>>[vector<16xi32>, vector<16xi32>, vector<16xi32>], vector<16xf32>,
      tpu.vector_store_idx %arg6[%broadcast_in_dim3A_729, %add3A_659], %gather3A_730 masked %lt3A_653 : memref<32x512xf32, #tpu.memory_space<vmem>>[vector<16xi32>, vector<16xi32>], vector<16xf32>, vector<16xi1>
      %broadcast_in_dim3A_731 = arith.constant 24 : i32
      %broadcast_in_dim3A_732 = vector.broadcast %broadcast_in_dim3A_731 : i32 to vector<16xi32>
      %gather3A_733 = tpu.vector_load_idx %arg7[%iota3A, %broadcast_in_dim3A_732, %and3A_655] : memref<16x32x128xf32, #tpu.memory_space<vmem>>[vector<16xi32>, vector<16xi32>, vector<16xi32>], vector<16xf32>,
      tpu.vector_store_idx %arg6[%broadcast_in_dim3A_732, %add3A_659], %gather3A_733 masked %lt3A_653 : memref<32x512xf32, #tpu.memory_space<vmem>>[vector<16xi32>, vector<16xi32>], vector<16xf32>, vector<16xi1>
      %broadcast_in_dim3A_734 = arith.constant 25 : i32
      %broadcast_in_dim3A_735 = vector.broadcast %broadcast_in_dim3A_734 : i32 to vector<16xi32>
      %gather3A_736 = tpu.vector_load_idx %arg7[%iota3A, %broadcast_in_dim3A_735, %and3A_655] : memref<16x32x128xf32, #tpu.memory_space<vmem>>[vector<16xi32>, vector<16xi32>, vector<16xi32>], vector<16xf32>,
      tpu.vector_store_idx %arg6[%broadcast_in_dim3A_735, %add3A_659], %gather3A_736 masked %lt3A_653 : memref<32x512xf32, #tpu.memory_space<vmem>>[vector<16xi32>, vector<16xi32>], vector<16xf32>, vector<16xi1>
      %broadcast_in_dim3A_737 = arith.constant 26 : i32
      %broadcast_in_dim3A_738 = vector.broadcast %broadcast_in_dim3A_737 : i32 to vector<16xi32>
      %gather3A_739 = tpu.vector_load_idx %arg7[%iota3A, %broadcast_in_dim3A_738, %and3A_655] : memref<16x32x128xf32, #tpu.memory_space<vmem>>[vector<16xi32>, vector<16xi32>, vector<16xi32>], vector<16xf32>,
      tpu.vector_store_idx %arg6[%broadcast_in_dim3A_738, %add3A_659], %gather3A_739 masked %lt3A_653 : memref<32x512xf32, #tpu.memory_space<vmem>>[vector<16xi32>, vector<16xi32>], vector<16xf32>, vector<16xi1>
      %broadcast_in_dim3A_740 = arith.constant 27 : i32
      %broadcast_in_dim3A_741 = vector.broadcast %broadcast_in_dim3A_740 : i32 to vector<16xi32>
      %gather3A_742 = tpu.vector_load_idx %arg7[%iota3A, %broadcast_in_dim3A_741, %and3A_655] : memref<16x32x128xf32, #tpu.memory_space<vmem>>[vector<16xi32>, vector<16xi32>, vector<16xi32>], vector<16xf32>,
      tpu.vector_store_idx %arg6[%broadcast_in_dim3A_741, %add3A_659], %gather3A_742 masked %lt3A_653 : memref<32x512xf32, #tpu.memory_space<vmem>>[vector<16xi32>, vector<16xi32>], vector<16xf32>, vector<16xi1>
      %broadcast_in_dim3A_743 = arith.constant 28 : i32
      %broadcast_in_dim3A_744 = vector.broadcast %broadcast_in_dim3A_743 : i32 to vector<16xi32>
      %gather3A_745 = tpu.vector_load_idx %arg7[%iota3A, %broadcast_in_dim3A_744, %and3A_655] : memref<16x32x128xf32, #tpu.memory_space<vmem>>[vector<16xi32>, vector<16xi32>, vector<16xi32>], vector<16xf32>,
      tpu.vector_store_idx %arg6[%broadcast_in_dim3A_744, %add3A_659], %gather3A_745 masked %lt3A_653 : memref<32x512xf32, #tpu.memory_space<vmem>>[vector<16xi32>, vector<16xi32>], vector<16xf32>, vector<16xi1>
      %broadcast_in_dim3A_746 = arith.constant 29 : i32
      %broadcast_in_dim3A_747 = vector.broadcast %broadcast_in_dim3A_746 : i32 to vector<16xi32>
      %gather3A_748 = tpu.vector_load_idx %arg7[%iota3A, %broadcast_in_dim3A_747, %and3A_655] : memref<16x32x128xf32, #tpu.memory_space<vmem>>[vector<16xi32>, vector<16xi32>, vector<16xi32>], vector<16xf32>,
      tpu.vector_store_idx %arg6[%broadcast_in_dim3A_747, %add3A_659], %gather3A_748 masked %lt3A_653 : memref<32x512xf32, #tpu.memory_space<vmem>>[vector<16xi32>, vector<16xi32>], vector<16xf32>, vector<16xi1>
      %broadcast_in_dim3A_749 = arith.constant 30 : i32
      %broadcast_in_dim3A_750 = vector.broadcast %broadcast_in_dim3A_749 : i32 to vector<16xi32>
      %gather3A_751 = tpu.vector_load_idx %arg7[%iota3A, %broadcast_in_dim3A_750, %and3A_655] : memref<16x32x128xf32, #tpu.memory_space<vmem>>[vector<16xi32>, vector<16xi32>, vector<16xi32>], vector<16xf32>,
      tpu.vector_store_idx %arg6[%broadcast_in_dim3A_750, %add3A_659], %gather3A_751 masked %lt3A_653 : memref<32x512xf32, #tpu.memory_space<vmem>>[vector<16xi32>, vector<16xi32>], vector<16xf32>, vector<16xi1>
      %broadcast_in_dim3A_752 = arith.constant 31 : i32
      %broadcast_in_dim3A_753 = vector.broadcast %broadcast_in_dim3A_752 : i32 to vector<16xi32>
      %gather3A_754 = tpu.vector_load_idx %arg7[%iota3A, %broadcast_in_dim3A_753, %and3A_655] : memref<16x32x128xf32, #tpu.memory_space<vmem>>[vector<16xi32>, vector<16xi32>, vector<16xi32>], vector<16xf32>,
      tpu.vector_store_idx %arg6[%broadcast_in_dim3A_753, %add3A_659], %gather3A_754 masked %lt3A_653 : memref<32x512xf32, #tpu.memory_space<vmem>>[vector<16xi32>, vector<16xi32>], vector<16xf32>, vector<16xi1>
      %add3A_755 = arith.constant 1 : i32
      %add3A_756 = arith.addi %scan3A_264, %add3A_755 : i32
      %lt3A_757 = arith.constant 32 : i32
      %lt3A_758 = arith.cmpi slt, %add3A_756, %lt3A_757 : i32
      %convert_element_type3A = arith.extui %lt3A_758 : i1 to i32
      %cond3A = arith.constant 0 : i32
      %cond3A_759 = arith.cmpi ne, %convert_element_type3A, %cond3A : i32
      scf.if %cond3A_759 {
        %add3A_985 = arith.constant 1 : i32
        %add3A_986 = arith.addi %scan3A_264, %add3A_985 : i32
        %mul3A_987 = arith.constant 16 : i32
        %mul3A_988 = arith.muli %add3A_986, %mul3A_987 : i32
        %get3A_989 = arith.index_cast %mul3A_988 : i32 to index
        %get3A_990 = tpu.vector_load %arg5[%get3A_989] {strides = array<i32>} : memref<512xi32, #tpu.memory_space<vmem>>, vector<16xi32>,
        %shift_right_arithmetic3A_991 = arith.constant 7 : i32
        %shift_right_arithmetic3A_992 = vector.broadcast %shift_right_arithmetic3A_991 : i32 to vector<16xi32>
        %shift_right_arithmetic3A_993 = arith.shrsi %get3A_990, %shift_right_arithmetic3A_992 : vector<16xi32>
        %eq3A_994 = arith.constant 0 : i32
        %eq3A_995 = vector.broadcast %eq3A_994 : i32 to vector<16xi32>
        %eq3A_996 = arith.cmpi eq, %iota3A, %eq3A_995 : vector<16xi32>
        %jit3A_997 = arith.constant 0 : i32
        %broadcast_in_dim3A_998 = vector.broadcast %jit3A_997 : i32 to vector<16xi32>
        %select_n3A_999 = arith.select %eq3A_996, %shift_right_arithmetic3A_993, %broadcast_in_dim3A_998 : vector<16xi1>, vector<16xi32>
        %reduce_max3A_1000 = arith.constant true
        %reduce_max3A_1001 = vector.broadcast %reduce_max3A_1000 : i1 to vector<16xi1>
        %reduce_max3A_1002 = arith.constant -2147483648 : i32
        %reduce_max3A_1003 = vector.broadcast %reduce_max3A_1002 : i32 to vector<16xi32>
        %reduce_max3A_1004 = arith.xori %select_n3A_999, %reduce_max3A_1003 : vector<16xi32>
        %reduce_max3A_1005 = tpu.scan <max>, %reduce_max3A_1004 masked %reduce_max3A_1001 : vector<16xi32>, vector<16xi1> -> vector<16xi32>
        %reduce_max3A_1006 = arith.xori %reduce_max3A_1005, %reduce_max3A_1003 : vector<16xi32>
        %reduce_max3A_1007 = vector.extract %reduce_max3A_1006[15] : i32 from vector<16xi32>
        %mul3A_1008 = arith.constant 128 : i32
        %mul3A_1009 = arith.muli %reduce_max3A_1007, %mul3A_1008 : i32
        %multiple_of3A_1010 = tpu.assume_multiple %mul3A_1009, 128 : i32
        %dma_start3A_1011 = arith.constant 0 : i32
        %dma_start3A_1012 = arith.constant 0 : i32
        %dma_start3A_1013 = arith.constant 0 : i32
        %dma_start3A_1014 = tpu.memref_slice %arg7[%dma_start3A_1011, %dma_start3A_1012, %dma_start3A_1013] : memref<16x32x128xf32, #tpu.memory_space<vmem>> -> memref<1x32x128xf32, #tpu.memory_space<vmem>>
        %dma_start3A_1015 = tpu.memref_squeeze %dma_start3A_1014 : memref<1x32x128xf32, #tpu.memory_space<vmem>> -> memref<32x128xf32, #tpu.memory_space<vmem>>
        %dma_start3A_1016 = arith.constant 0 : i32
        %dma_start3A_1017 = tpu.memref_slice %arg3[%dma_start3A_1016, %multiple_of3A_1010] : memref<32x1000001xf32, #tpu.memory_space<hbm>> -> memref<32x128xf32, #tpu.memory_space<hbm>>
        %dma_start3A_1018 = arith.constant 0 : i32
        %dma_start3A_1019 = arith.constant 0 : i32
        %dma_start3A_1020 = tpu.memref_slice %arg7[%dma_start3A_1011, %dma_start3A_1018, %dma_start3A_1019] : memref<16x32x128xf32, #tpu.memory_space<vmem>> -> memref<1x32x128xf32, #tpu.memory_space<vmem>>
        %dma_start3A_1021 = tpu.memref_squeeze %dma_start3A_1020 : memref<1x32x128xf32, #tpu.memory_space<vmem>> -> memref<32x128xf32, #tpu.memory_space<vmem>>
        %dma_start3A_1022 = arith.constant 0 : i32
        %dma_start3A_1023 = tpu.memref_slice %arg3[%dma_start3A_1022, %multiple_of3A_1010] : memref<32x1000001xf32, #tpu.memory_space<hbm>> -> memref<32x128xf32, #tpu.memory_space<hbm>>
        tpu.enqueue_dma source(%dma_start3A_1023 : memref<32x128xf32, #tpu.memory_space<hbm>>) target(%dma_start3A_1021 : memref<32x128xf32, #tpu.memory_space<vmem>>) target_semaphore(%arg8 : memref<!tpu.dma_semaphore, #tpu.memory_space<semaphore_mem>>)
        %shift_right_arithmetic3A_1024 = arith.constant 7 : i32
        %shift_right_arithmetic3A_1025 = vector.broadcast %shift_right_arithmetic3A_1024 : i32 to vector<16xi32>
        %shift_right_arithmetic3A_1026 = arith.shrsi %get3A_990, %shift_right_arithmetic3A_1025 : vector<16xi32>
        %eq3A_1027 = arith.constant 1 : i32
        %eq3A_1028 = vector.broadcast %eq3A_1027 : i32 to vector<16xi32>
        %eq3A_1029 = arith.cmpi eq, %iota3A, %eq3A_1028 : vector<16xi32>
        %jit3A_1030 = arith.constant 0 : i32
        %broadcast_in_dim3A_1031 = vector.broadcast %jit3A_1030 : i32 to vector<16xi32>
        %select_n3A_1032 = arith.select %eq3A_1029, %shift_right_arithmetic3A_1026, %broadcast_in_dim3A_1031 : vector<16xi1>, vector<16xi32>
        %reduce_max3A_1033 = arith.constant true
        %reduce_max3A_1034 = vector.broadcast %reduce_max3A_1033 : i1 to vector<16xi1>
        %reduce_max3A_1035 = arith.constant -2147483648 : i32
        %reduce_max3A_1036 = vector.broadcast %reduce_max3A_1035 : i32 to vector<16xi32>
        %reduce_max3A_1037 = arith.xori %select_n3A_1032, %reduce_max3A_1036 : vector<16xi32>
        %reduce_max3A_1038 = tpu.scan <max>, %reduce_max3A_1037 masked %reduce_max3A_1034 : vector<16xi32>, vector<16xi1> -> vector<16xi32>
        %reduce_max3A_1039 = arith.xori %reduce_max3A_1038, %reduce_max3A_1036 : vector<16xi32>
        %reduce_max3A_1040 = vector.extract %reduce_max3A_1039[15] : i32 from vector<16xi32>
        %mul3A_1041 = arith.constant 128 : i32
        %mul3A_1042 = arith.muli %reduce_max3A_1040, %mul3A_1041 : i32
        %multiple_of3A_1043 = tpu.assume_multiple %mul3A_1042, 128 : i32
        %dma_start3A_1044 = arith.constant 1 : i32
        %dma_start3A_1045 = arith.constant 0 : i32
        %dma_start3A_1046 = arith.constant 0 : i32
        %dma_start3A_1047 = tpu.memref_slice %arg7[%dma_start3A_1044, %dma_start3A_1045, %dma_start3A_1046] : memref<16x32x128xf32, #tpu.memory_space<vmem>> -> memref<1x32x128xf32, #tpu.memory_space<vmem>>
        %dma_start3A_1048 = tpu.memref_squeeze %dma_start3A_1047 : memref<1x32x128xf32, #tpu.memory_space<vmem>> -> memref<32x128xf32, #tpu.memory_space<vmem>>
        %dma_start3A_1049 = arith.constant 0 : i32
        %dma_start3A_1050 = tpu.memref_slice %arg3[%dma_start3A_1049, %multiple_of3A_1043] : memref<32x1000001xf32, #tpu.memory_space<hbm>> -> memref<32x128xf32, #tpu.memory_space<hbm>>
        %dma_start3A_1051 = arith.constant 0 : i32
        %dma_start3A_1052 = arith.constant 0 : i32
        %dma_start3A_1053 = tpu.memref_slice %arg7[%dma_start3A_1044, %dma_start3A_1051, %dma_start3A_1052] : memref<16x32x128xf32, #tpu.memory_space<vmem>> -> memref<1x32x128xf32, #tpu.memory_space<vmem>>
        %dma_start3A_1054 = tpu.memref_squeeze %dma_start3A_1053 : memref<1x32x128xf32, #tpu.memory_space<vmem>> -> memref<32x128xf32, #tpu.memory_space<vmem>>
        %dma_start3A_1055 = arith.constant 0 : i32
        %dma_start3A_1056 = tpu.memref_slice %arg3[%dma_start3A_1055, %multiple_of3A_1043] : memref<32x1000001xf32, #tpu.memory_space<hbm>> -> memref<32x128xf32, #tpu.memory_space<hbm>>
        tpu.enqueue_dma source(%dma_start3A_1056 : memref<32x128xf32, #tpu.memory_space<hbm>>) target(%dma_start3A_1054 : memref<32x128xf32, #tpu.memory_space<vmem>>) target_semaphore(%arg9 : memref<!tpu.dma_semaphore, #tpu.memory_space<semaphore_mem>>)
        %shift_right_arithmetic3A_1057 = arith.constant 7 : i32
        %shift_right_arithmetic3A_1058 = vector.broadcast %shift_right_arithmetic3A_1057 : i32 to vector<16xi32>
        %shift_right_arithmetic3A_1059 = arith.shrsi %get3A_990, %shift_right_arithmetic3A_1058 : vector<16xi32>
        %eq3A_1060 = arith.constant 2 : i32
        %eq3A_1061 = vector.broadcast %eq3A_1060 : i32 to vector<16xi32>
        %eq3A_1062 = arith.cmpi eq, %iota3A, %eq3A_1061 : vector<16xi32>
        %jit3A_1063 = arith.constant 0 : i32
        %broadcast_in_dim3A_1064 = vector.broadcast %jit3A_1063 : i32 to vector<16xi32>
        %select_n3A_1065 = arith.select %eq3A_1062, %shift_right_arithmetic3A_1059, %broadcast_in_dim3A_1064 : vector<16xi1>, vector<16xi32>
        %reduce_max3A_1066 = arith.constant true
        %reduce_max3A_1067 = vector.broadcast %reduce_max3A_1066 : i1 to vector<16xi1>
        %reduce_max3A_1068 = arith.constant -2147483648 : i32
        %reduce_max3A_1069 = vector.broadcast %reduce_max3A_1068 : i32 to vector<16xi32>
        %reduce_max3A_1070 = arith.xori %select_n3A_1065, %reduce_max3A_1069 : vector<16xi32>
        %reduce_max3A_1071 = tpu.scan <max>, %reduce_max3A_1070 masked %reduce_max3A_1067 : vector<16xi32>, vector<16xi1> -> vector<16xi32>
        %reduce_max3A_1072 = arith.xori %reduce_max3A_1071, %reduce_max3A_1069 : vector<16xi32>
        %reduce_max3A_1073 = vector.extract %reduce_max3A_1072[15] : i32 from vector<16xi32>
        %mul3A_1074 = arith.constant 128 : i32
        %mul3A_1075 = arith.muli %reduce_max3A_1073, %mul3A_1074 : i32
        %multiple_of3A_1076 = tpu.assume_multiple %mul3A_1075, 128 : i32
        %dma_start3A_1077 = arith.constant 2 : i32
        %dma_start3A_1078 = arith.constant 0 : i32
        %dma_start3A_1079 = arith.constant 0 : i32
        %dma_start3A_1080 = tpu.memref_slice %arg7[%dma_start3A_1077, %dma_start3A_1078, %dma_start3A_1079] : memref<16x32x128xf32, #tpu.memory_space<vmem>> -> memref<1x32x128xf32, #tpu.memory_space<vmem>>
        %dma_start3A_1081 = tpu.memref_squeeze %dma_start3A_1080 : memref<1x32x128xf32, #tpu.memory_space<vmem>> -> memref<32x128xf32, #tpu.memory_space<vmem>>
        %dma_start3A_1082 = arith.constant 0 : i32
        %dma_start3A_1083 = tpu.memref_slice %arg3[%dma_start3A_1082, %multiple_of3A_1076] : memref<32x1000001xf32, #tpu.memory_space<hbm>> -> memref<32x128xf32, #tpu.memory_space<hbm>>
        %dma_start3A_1084 = arith.constant 0 : i32
        %dma_start3A_1085 = arith.constant 0 : i32
        %dma_start3A_1086 = tpu.memref_slice %arg7[%dma_start3A_1077, %dma_start3A_1084, %dma_start3A_1085] : memref<16x32x128xf32, #tpu.memory_space<vmem>> -> memref<1x32x128xf32, #tpu.memory_space<vmem>>
        %dma_start3A_1087 = tpu.memref_squeeze %dma_start3A_1086 : memref<1x32x128xf32, #tpu.memory_space<vmem>> -> memref<32x128xf32, #tpu.memory_space<vmem>>
        %dma_start3A_1088 = arith.constant 0 : i32
        %dma_start3A_1089 = tpu.memref_slice %arg3[%dma_start3A_1088, %multiple_of3A_1076] : memref<32x1000001xf32, #tpu.memory_space<hbm>> -> memref<32x128xf32, #tpu.memory_space<hbm>>
        tpu.enqueue_dma source(%dma_start3A_1089 : memref<32x128xf32, #tpu.memory_space<hbm>>) target(%dma_start3A_1087 : memref<32x128xf32, #tpu.memory_space<vmem>>) target_semaphore(%arg10 : memref<!tpu.dma_semaphore, #tpu.memory_space<semaphore_mem>>)
        %shift_right_arithmetic3A_1090 = arith.constant 7 : i32
        %shift_right_arithmetic3A_1091 = vector.broadcast %shift_right_arithmetic3A_1090 : i32 to vector<16xi32>
        %shift_right_arithmetic3A_1092 = arith.shrsi %get3A_990, %shift_right_arithmetic3A_1091 : vector<16xi32>
        %eq3A_1093 = arith.constant 3 : i32
        %eq3A_1094 = vector.broadcast %eq3A_1093 : i32 to vector<16xi32>
        %eq3A_1095 = arith.cmpi eq, %iota3A, %eq3A_1094 : vector<16xi32>
        %jit3A_1096 = arith.constant 0 : i32
        %broadcast_in_dim3A_1097 = vector.broadcast %jit3A_1096 : i32 to vector<16xi32>
        %select_n3A_1098 = arith.select %eq3A_1095, %shift_right_arithmetic3A_1092, %broadcast_in_dim3A_1097 : vector<16xi1>, vector<16xi32>
        %reduce_max3A_1099 = arith.constant true
        %reduce_max3A_1100 = vector.broadcast %reduce_max3A_1099 : i1 to vector<16xi1>
        %reduce_max3A_1101 = arith.constant -2147483648 : i32
        %reduce_max3A_1102 = vector.broadcast %reduce_max3A_1101 : i32 to vector<16xi32>
        %reduce_max3A_1103 = arith.xori %select_n3A_1098, %reduce_max3A_1102 : vector<16xi32>
        %reduce_max3A_1104 = tpu.scan <max>, %reduce_max3A_1103 masked %reduce_max3A_1100 : vector<16xi32>, vector<16xi1> -> vector<16xi32>
        %reduce_max3A_1105 = arith.xori %reduce_max3A_1104, %reduce_max3A_1102 : vector<16xi32>
        %reduce_max3A_1106 = vector.extract %reduce_max3A_1105[15] : i32 from vector<16xi32>
        %mul3A_1107 = arith.constant 128 : i32
        %mul3A_1108 = arith.muli %reduce_max3A_1106, %mul3A_1107 : i32
        %multiple_of3A_1109 = tpu.assume_multiple %mul3A_1108, 128 : i32
        %dma_start3A_1110 = arith.constant 3 : i32
        %dma_start3A_1111 = arith.constant 0 : i32
        %dma_start3A_1112 = arith.constant 0 : i32
        %dma_start3A_1113 = tpu.memref_slice %arg7[%dma_start3A_1110, %dma_start3A_1111, %dma_start3A_1112] : memref<16x32x128xf32, #tpu.memory_space<vmem>> -> memref<1x32x128xf32, #tpu.memory_space<vmem>>
        %dma_start3A_1114 = tpu.memref_squeeze %dma_start3A_1113 : memref<1x32x128xf32, #tpu.memory_space<vmem>> -> memref<32x128xf32, #tpu.memory_space<vmem>>
        %dma_start3A_1115 = arith.constant 0 : i32
        %dma_start3A_1116 = tpu.memref_slice %arg3[%dma_start3A_1115, %multiple_of3A_1109] : memref<32x1000001xf32, #tpu.memory_space<hbm>> -> memref<32x128xf32, #tpu.memory_space<hbm>>
        %dma_start3A_1117 = arith.constant 0 : i32
        %dma_start3A_1118 = arith.constant 0 : i32
        %dma_start3A_1119 = tpu.memref_slice %arg7[%dma_start3A_1110, %dma_start3A_1117, %dma_start3A_1118] : memref<16x32x128xf32, #tpu.memory_space<vmem>> -> memref<1x32x128xf32, #tpu.memory_space<vmem>>
        %dma_start3A_1120 = tpu.memref_squeeze %dma_start3A_1119 : memref<1x32x128xf32, #tpu.memory_space<vmem>> -> memref<32x128xf32, #tpu.memory_space<vmem>>
        %dma_start3A_1121 = arith.constant 0 : i32
        %dma_start3A_1122 = tpu.memref_slice %arg3[%dma_start3A_1121, %multiple_of3A_1109] : memref<32x1000001xf32, #tpu.memory_space<hbm>> -> memref<32x128xf32, #tpu.memory_space<hbm>>
        tpu.enqueue_dma source(%dma_start3A_1122 : memref<32x128xf32, #tpu.memory_space<hbm>>) target(%dma_start3A_1120 : memref<32x128xf32, #tpu.memory_space<vmem>>) target_semaphore(%arg11 : memref<!tpu.dma_semaphore, #tpu.memory_space<semaphore_mem>>)
        %shift_right_arithmetic3A_1123 = arith.constant 7 : i32
        %shift_right_arithmetic3A_1124 = vector.broadcast %shift_right_arithmetic3A_1123 : i32 to vector<16xi32>
        %shift_right_arithmetic3A_1125 = arith.shrsi %get3A_990, %shift_right_arithmetic3A_1124 : vector<16xi32>
        %eq3A_1126 = arith.constant 4 : i32
        %eq3A_1127 = vector.broadcast %eq3A_1126 : i32 to vector<16xi32>
        %eq3A_1128 = arith.cmpi eq, %iota3A, %eq3A_1127 : vector<16xi32>
        %jit3A_1129 = arith.constant 0 : i32
        %broadcast_in_dim3A_1130 = vector.broadcast %jit3A_1129 : i32 to vector<16xi32>
        %select_n3A_1131 = arith.select %eq3A_1128, %shift_right_arithmetic3A_1125, %broadcast_in_dim3A_1130 : vector<16xi1>, vector<16xi32>
        %reduce_max3A_1132 = arith.constant true
        %reduce_max3A_1133 = vector.broadcast %reduce_max3A_1132 : i1 to vector<16xi1>
        %reduce_max3A_1134 = arith.constant -2147483648 : i32
        %reduce_max3A_1135 = vector.broadcast %reduce_max3A_1134 : i32 to vector<16xi32>
        %reduce_max3A_1136 = arith.xori %select_n3A_1131, %reduce_max3A_1135 : vector<16xi32>
        %reduce_max3A_1137 = tpu.scan <max>, %reduce_max3A_1136 masked %reduce_max3A_1133 : vector<16xi32>, vector<16xi1> -> vector<16xi32>
        %reduce_max3A_1138 = arith.xori %reduce_max3A_1137, %reduce_max3A_1135 : vector<16xi32>
        %reduce_max3A_1139 = vector.extract %reduce_max3A_1138[15] : i32 from vector<16xi32>
        %mul3A_1140 = arith.constant 128 : i32
        %mul3A_1141 = arith.muli %reduce_max3A_1139, %mul3A_1140 : i32
        %multiple_of3A_1142 = tpu.assume_multiple %mul3A_1141, 128 : i32
        %dma_start3A_1143 = arith.constant 4 : i32
        %dma_start3A_1144 = arith.constant 0 : i32
        %dma_start3A_1145 = arith.constant 0 : i32
        %dma_start3A_1146 = tpu.memref_slice %arg7[%dma_start3A_1143, %dma_start3A_1144, %dma_start3A_1145] : memref<16x32x128xf32, #tpu.memory_space<vmem>> -> memref<1x32x128xf32, #tpu.memory_space<vmem>>
        %dma_start3A_1147 = tpu.memref_squeeze %dma_start3A_1146 : memref<1x32x128xf32, #tpu.memory_space<vmem>> -> memref<32x128xf32, #tpu.memory_space<vmem>>
        %dma_start3A_1148 = arith.constant 0 : i32
        %dma_start3A_1149 = tpu.memref_slice %arg3[%dma_start3A_1148, %multiple_of3A_1142] : memref<32x1000001xf32, #tpu.memory_space<hbm>> -> memref<32x128xf32, #tpu.memory_space<hbm>>
        %dma_start3A_1150 = arith.constant 0 : i32
        %dma_start3A_1151 = arith.constant 0 : i32
        %dma_start3A_1152 = tpu.memref_slice %arg7[%dma_start3A_1143, %dma_start3A_1150, %dma_start3A_1151] : memref<16x32x128xf32, #tpu.memory_space<vmem>> -> memref<1x32x128xf32, #tpu.memory_space<vmem>>
        %dma_start3A_1153 = tpu.memref_squeeze %dma_start3A_1152 : memref<1x32x128xf32, #tpu.memory_space<vmem>> -> memref<32x128xf32, #tpu.memory_space<vmem>>
        %dma_start3A_1154 = arith.constant 0 : i32
        %dma_start3A_1155 = tpu.memref_slice %arg3[%dma_start3A_1154, %multiple_of3A_1142] : memref<32x1000001xf32, #tpu.memory_space<hbm>> -> memref<32x128xf32, #tpu.memory_space<hbm>>
        tpu.enqueue_dma source(%dma_start3A_1155 : memref<32x128xf32, #tpu.memory_space<hbm>>) target(%dma_start3A_1153 : memref<32x128xf32, #tpu.memory_space<vmem>>) target_semaphore(%arg12 : memref<!tpu.dma_semaphore, #tpu.memory_space<semaphore_mem>>)
        %shift_right_arithmetic3A_1156 = arith.constant 7 : i32
        %shift_right_arithmetic3A_1157 = vector.broadcast %shift_right_arithmetic3A_1156 : i32 to vector<16xi32>
        %shift_right_arithmetic3A_1158 = arith.shrsi %get3A_990, %shift_right_arithmetic3A_1157 : vector<16xi32>
        %eq3A_1159 = arith.constant 5 : i32
        %eq3A_1160 = vector.broadcast %eq3A_1159 : i32 to vector<16xi32>
        %eq3A_1161 = arith.cmpi eq, %iota3A, %eq3A_1160 : vector<16xi32>
        %jit3A_1162 = arith.constant 0 : i32
        %broadcast_in_dim3A_1163 = vector.broadcast %jit3A_1162 : i32 to vector<16xi32>
        %select_n3A_1164 = arith.select %eq3A_1161, %shift_right_arithmetic3A_1158, %broadcast_in_dim3A_1163 : vector<16xi1>, vector<16xi32>
        %reduce_max3A_1165 = arith.constant true
        %reduce_max3A_1166 = vector.broadcast %reduce_max3A_1165 : i1 to vector<16xi1>
        %reduce_max3A_1167 = arith.constant -2147483648 : i32
        %reduce_max3A_1168 = vector.broadcast %reduce_max3A_1167 : i32 to vector<16xi32>
        %reduce_max3A_1169 = arith.xori %select_n3A_1164, %reduce_max3A_1168 : vector<16xi32>
        %reduce_max3A_1170 = tpu.scan <max>, %reduce_max3A_1169 masked %reduce_max3A_1166 : vector<16xi32>, vector<16xi1> -> vector<16xi32>
        %reduce_max3A_1171 = arith.xori %reduce_max3A_1170, %reduce_max3A_1168 : vector<16xi32>
        %reduce_max3A_1172 = vector.extract %reduce_max3A_1171[15] : i32 from vector<16xi32>
        %mul3A_1173 = arith.constant 128 : i32
        %mul3A_1174 = arith.muli %reduce_max3A_1172, %mul3A_1173 : i32
        %multiple_of3A_1175 = tpu.assume_multiple %mul3A_1174, 128 : i32
        %dma_start3A_1176 = arith.constant 5 : i32
        %dma_start3A_1177 = arith.constant 0 : i32
        %dma_start3A_1178 = arith.constant 0 : i32
        %dma_start3A_1179 = tpu.memref_slice %arg7[%dma_start3A_1176, %dma_start3A_1177, %dma_start3A_1178] : memref<16x32x128xf32, #tpu.memory_space<vmem>> -> memref<1x32x128xf32, #tpu.memory_space<vmem>>
        %dma_start3A_1180 = tpu.memref_squeeze %dma_start3A_1179 : memref<1x32x128xf32, #tpu.memory_space<vmem>> -> memref<32x128xf32, #tpu.memory_space<vmem>>
        %dma_start3A_1181 = arith.constant 0 : i32
        %dma_start3A_1182 = tpu.memref_slice %arg3[%dma_start3A_1181, %multiple_of3A_1175] : memref<32x1000001xf32, #tpu.memory_space<hbm>> -> memref<32x128xf32, #tpu.memory_space<hbm>>
        %dma_start3A_1183 = arith.constant 0 : i32
        %dma_start3A_1184 = arith.constant 0 : i32
        %dma_start3A_1185 = tpu.memref_slice %arg7[%dma_start3A_1176, %dma_start3A_1183, %dma_start3A_1184] : memref<16x32x128xf32, #tpu.memory_space<vmem>> -> memref<1x32x128xf32, #tpu.memory_space<vmem>>
        %dma_start3A_1186 = tpu.memref_squeeze %dma_start3A_1185 : memref<1x32x128xf32, #tpu.memory_space<vmem>> -> memref<32x128xf32, #tpu.memory_space<vmem>>
        %dma_start3A_1187 = arith.constant 0 : i32
        %dma_start3A_1188 = tpu.memref_slice %arg3[%dma_start3A_1187, %multiple_of3A_1175] : memref<32x1000001xf32, #tpu.memory_space<hbm>> -> memref<32x128xf32, #tpu.memory_space<hbm>>
        tpu.enqueue_dma source(%dma_start3A_1188 : memref<32x128xf32, #tpu.memory_space<hbm>>) target(%dma_start3A_1186 : memref<32x128xf32, #tpu.memory_space<vmem>>) target_semaphore(%arg13 : memref<!tpu.dma_semaphore, #tpu.memory_space<semaphore_mem>>)
        %shift_right_arithmetic3A_1189 = arith.constant 7 : i32
        %shift_right_arithmetic3A_1190 = vector.broadcast %shift_right_arithmetic3A_1189 : i32 to vector<16xi32>
        %shift_right_arithmetic3A_1191 = arith.shrsi %get3A_990, %shift_right_arithmetic3A_1190 : vector<16xi32>
        %eq3A_1192 = arith.constant 6 : i32
        %eq3A_1193 = vector.broadcast %eq3A_1192 : i32 to vector<16xi32>
        %eq3A_1194 = arith.cmpi eq, %iota3A, %eq3A_1193 : vector<16xi32>
        %jit3A_1195 = arith.constant 0 : i32
        %broadcast_in_dim3A_1196 = vector.broadcast %jit3A_1195 : i32 to vector<16xi32>
        %select_n3A_1197 = arith.select %eq3A_1194, %shift_right_arithmetic3A_1191, %broadcast_in_dim3A_1196 : vector<16xi1>, vector<16xi32>
        %reduce_max3A_1198 = arith.constant true
        %reduce_max3A_1199 = vector.broadcast %reduce_max3A_1198 : i1 to vector<16xi1>
        %reduce_max3A_1200 = arith.constant -2147483648 : i32
        %reduce_max3A_1201 = vector.broadcast %reduce_max3A_1200 : i32 to vector<16xi32>
        %reduce_max3A_1202 = arith.xori %select_n3A_1197, %reduce_max3A_1201 : vector<16xi32>
        %reduce_max3A_1203 = tpu.scan <max>, %reduce_max3A_1202 masked %reduce_max3A_1199 : vector<16xi32>, vector<16xi1> -> vector<16xi32>
        %reduce_max3A_1204 = arith.xori %reduce_max3A_1203, %reduce_max3A_1201 : vector<16xi32>
        %reduce_max3A_1205 = vector.extract %reduce_max3A_1204[15] : i32 from vector<16xi32>
        %mul3A_1206 = arith.constant 128 : i32
        %mul3A_1207 = arith.muli %reduce_max3A_1205, %mul3A_1206 : i32
        %multiple_of3A_1208 = tpu.assume_multiple %mul3A_1207, 128 : i32
        %dma_start3A_1209 = arith.constant 6 : i32
        %dma_start3A_1210 = arith.constant 0 : i32
        %dma_start3A_1211 = arith.constant 0 : i32
        %dma_start3A_1212 = tpu.memref_slice %arg7[%dma_start3A_1209, %dma_start3A_1210, %dma_start3A_1211] : memref<16x32x128xf32, #tpu.memory_space<vmem>> -> memref<1x32x128xf32, #tpu.memory_space<vmem>>
        %dma_start3A_1213 = tpu.memref_squeeze %dma_start3A_1212 : memref<1x32x128xf32, #tpu.memory_space<vmem>> -> memref<32x128xf32, #tpu.memory_space<vmem>>
        %dma_start3A_1214 = arith.constant 0 : i32
        %dma_start3A_1215 = tpu.memref_slice %arg3[%dma_start3A_1214, %multiple_of3A_1208] : memref<32x1000001xf32, #tpu.memory_space<hbm>> -> memref<32x128xf32, #tpu.memory_space<hbm>>
        %dma_start3A_1216 = arith.constant 0 : i32
        %dma_start3A_1217 = arith.constant 0 : i32
        %dma_start3A_1218 = tpu.memref_slice %arg7[%dma_start3A_1209, %dma_start3A_1216, %dma_start3A_1217] : memref<16x32x128xf32, #tpu.memory_space<vmem>> -> memref<1x32x128xf32, #tpu.memory_space<vmem>>
        %dma_start3A_1219 = tpu.memref_squeeze %dma_start3A_1218 : memref<1x32x128xf32, #tpu.memory_space<vmem>> -> memref<32x128xf32, #tpu.memory_space<vmem>>
        %dma_start3A_1220 = arith.constant 0 : i32
        %dma_start3A_1221 = tpu.memref_slice %arg3[%dma_start3A_1220, %multiple_of3A_1208] : memref<32x1000001xf32, #tpu.memory_space<hbm>> -> memref<32x128xf32, #tpu.memory_space<hbm>>
        tpu.enqueue_dma source(%dma_start3A_1221 : memref<32x128xf32, #tpu.memory_space<hbm>>) target(%dma_start3A_1219 : memref<32x128xf32, #tpu.memory_space<vmem>>) target_semaphore(%arg14 : memref<!tpu.dma_semaphore, #tpu.memory_space<semaphore_mem>>)
        %shift_right_arithmetic3A_1222 = arith.constant 7 : i32
        %shift_right_arithmetic3A_1223 = vector.broadcast %shift_right_arithmetic3A_1222 : i32 to vector<16xi32>
        %shift_right_arithmetic3A_1224 = arith.shrsi %get3A_990, %shift_right_arithmetic3A_1223 : vector<16xi32>
        %eq3A_1225 = arith.constant 7 : i32
        %eq3A_1226 = vector.broadcast %eq3A_1225 : i32 to vector<16xi32>
        %eq3A_1227 = arith.cmpi eq, %iota3A, %eq3A_1226 : vector<16xi32>
        %jit3A_1228 = arith.constant 0 : i32
        %broadcast_in_dim3A_1229 = vector.broadcast %jit3A_1228 : i32 to vector<16xi32>
        %select_n3A_1230 = arith.select %eq3A_1227, %shift_right_arithmetic3A_1224, %broadcast_in_dim3A_1229 : vector<16xi1>, vector<16xi32>
        %reduce_max3A_1231 = arith.constant true
        %reduce_max3A_1232 = vector.broadcast %reduce_max3A_1231 : i1 to vector<16xi1>
        %reduce_max3A_1233 = arith.constant -2147483648 : i32
        %reduce_max3A_1234 = vector.broadcast %reduce_max3A_1233 : i32 to vector<16xi32>
        %reduce_max3A_1235 = arith.xori %select_n3A_1230, %reduce_max3A_1234 : vector<16xi32>
        %reduce_max3A_1236 = tpu.scan <max>, %reduce_max3A_1235 masked %reduce_max3A_1232 : vector<16xi32>, vector<16xi1> -> vector<16xi32>
        %reduce_max3A_1237 = arith.xori %reduce_max3A_1236, %reduce_max3A_1234 : vector<16xi32>
        %reduce_max3A_1238 = vector.extract %reduce_max3A_1237[15] : i32 from vector<16xi32>
        %mul3A_1239 = arith.constant 128 : i32
        %mul3A_1240 = arith.muli %reduce_max3A_1238, %mul3A_1239 : i32
        %multiple_of3A_1241 = tpu.assume_multiple %mul3A_1240, 128 : i32
        %dma_start3A_1242 = arith.constant 7 : i32
        %dma_start3A_1243 = arith.constant 0 : i32
        %dma_start3A_1244 = arith.constant 0 : i32
        %dma_start3A_1245 = tpu.memref_slice %arg7[%dma_start3A_1242, %dma_start3A_1243, %dma_start3A_1244] : memref<16x32x128xf32, #tpu.memory_space<vmem>> -> memref<1x32x128xf32, #tpu.memory_space<vmem>>
        %dma_start3A_1246 = tpu.memref_squeeze %dma_start3A_1245 : memref<1x32x128xf32, #tpu.memory_space<vmem>> -> memref<32x128xf32, #tpu.memory_space<vmem>>
        %dma_start3A_1247 = arith.constant 0 : i32
        %dma_start3A_1248 = tpu.memref_slice %arg3[%dma_start3A_1247, %multiple_of3A_1241] : memref<32x1000001xf32, #tpu.memory_space<hbm>> -> memref<32x128xf32, #tpu.memory_space<hbm>>
        %dma_start3A_1249 = arith.constant 0 : i32
        %dma_start3A_1250 = arith.constant 0 : i32
        %dma_start3A_1251 = tpu.memref_slice %arg7[%dma_start3A_1242, %dma_start3A_1249, %dma_start3A_1250] : memref<16x32x128xf32, #tpu.memory_space<vmem>> -> memref<1x32x128xf32, #tpu.memory_space<vmem>>
        %dma_start3A_1252 = tpu.memref_squeeze %dma_start3A_1251 : memref<1x32x128xf32, #tpu.memory_space<vmem>> -> memref<32x128xf32, #tpu.memory_space<vmem>>
        %dma_start3A_1253 = arith.constant 0 : i32
        %dma_start3A_1254 = tpu.memref_slice %arg3[%dma_start3A_1253, %multiple_of3A_1241] : memref<32x1000001xf32, #tpu.memory_space<hbm>> -> memref<32x128xf32, #tpu.memory_space<hbm>>
        tpu.enqueue_dma source(%dma_start3A_1254 : memref<32x128xf32, #tpu.memory_space<hbm>>) target(%dma_start3A_1252 : memref<32x128xf32, #tpu.memory_space<vmem>>) target_semaphore(%arg15 : memref<!tpu.dma_semaphore, #tpu.memory_space<semaphore_mem>>)
      } else {
      }
      %dma_wait3A_760 = arith.constant 8 : i32
      %dma_wait3A_761 = arith.constant 0 : i32
      %dma_wait3A_762 = arith.constant 0 : i32
      %dma_wait3A_763 = tpu.memref_slice %arg7[%dma_wait3A_760, %dma_wait3A_761, %dma_wait3A_762] : memref<16x32x128xf32, #tpu.memory_space<vmem>> -> memref<1x32x128xf32, #tpu.memory_space<vmem>>
      %dma_wait3A_764 = tpu.memref_squeeze %dma_wait3A_763 : memref<1x32x128xf32, #tpu.memory_space<vmem>> -> memref<32x128xf32, #tpu.memory_space<vmem>>
      %dma_wait3A_765 = arith.constant 0 : i32
      %dma_wait3A_766 = arith.constant 0 : i32
      %dma_wait3A_767 = tpu.memref_slice %arg3[%dma_wait3A_765, %dma_wait3A_766] : memref<32x1000001xf32, #tpu.memory_space<hbm>> -> memref<32x128xf32, #tpu.memory_space<hbm>>
      %dma_wait3A_768 = arith.constant 0 : i32
      %dma_wait3A_769 = arith.constant 0 : i32
      %dma_wait3A_770 = tpu.memref_slice %arg7[%dma_wait3A_760, %dma_wait3A_768, %dma_wait3A_769] : memref<16x32x128xf32, #tpu.memory_space<vmem>> -> memref<1x32x128xf32, #tpu.memory_space<vmem>>
      %dma_wait3A_771 = tpu.memref_squeeze %dma_wait3A_770 : memref<1x32x128xf32, #tpu.memory_space<vmem>> -> memref<32x128xf32, #tpu.memory_space<vmem>>
      %dma_wait3A_772 = arith.constant 0 : i32
      %dma_wait3A_773 = arith.constant 0 : i32
      %dma_wait3A_774 = tpu.memref_slice %arg3[%dma_wait3A_772, %dma_wait3A_773] : memref<32x1000001xf32, #tpu.memory_space<hbm>> -> memref<32x128xf32, #tpu.memory_space<hbm>>
      tpu.wait_dma2 semaphore(%arg16 : memref<!tpu.dma_semaphore, #tpu.memory_space<semaphore_mem>>) src(%dma_wait3A_774 : memref<32x128xf32, #tpu.memory_space<hbm>>) dst(%dma_wait3A_771 : memref<32x128xf32, #tpu.memory_space<vmem>>)
      %dma_wait3A_775 = arith.constant 9 : i32
      %dma_wait3A_776 = arith.constant 0 : i32
      %dma_wait3A_777 = arith.constant 0 : i32
      %dma_wait3A_778 = tpu.memref_slice %arg7[%dma_wait3A_775, %dma_wait3A_776, %dma_wait3A_777] : memref<16x32x128xf32, #tpu.memory_space<vmem>> -> memref<1x32x128xf32, #tpu.memory_space<vmem>>
      %dma_wait3A_779 = tpu.memref_squeeze %dma_wait3A_778 : memref<1x32x128xf32, #tpu.memory_space<vmem>> -> memref<32x128xf32, #tpu.memory_space<vmem>>
      %dma_wait3A_780 = arith.constant 0 : i32
      %dma_wait3A_781 = arith.constant 0 : i32
      %dma_wait3A_782 = tpu.memref_slice %arg3[%dma_wait3A_780, %dma_wait3A_781] : memref<32x1000001xf32, #tpu.memory_space<hbm>> -> memref<32x128xf32, #tpu.memory_space<hbm>>
      %dma_wait3A_783 = arith.constant 0 : i32
      %dma_wait3A_784 = arith.constant 0 : i32
      %dma_wait3A_785 = tpu.memref_slice %arg7[%dma_wait3A_775, %dma_wait3A_783, %dma_wait3A_784] : memref<16x32x128xf32, #tpu.memory_space<vmem>> -> memref<1x32x128xf32, #tpu.memory_space<vmem>>
      %dma_wait3A_786 = tpu.memref_squeeze %dma_wait3A_785 : memref<1x32x128xf32, #tpu.memory_space<vmem>> -> memref<32x128xf32, #tpu.memory_space<vmem>>
      %dma_wait3A_787 = arith.constant 0 : i32
      %dma_wait3A_788 = arith.constant 0 : i32
      %dma_wait3A_789 = tpu.memref_slice %arg3[%dma_wait3A_787, %dma_wait3A_788] : memref<32x1000001xf32, #tpu.memory_space<hbm>> -> memref<32x128xf32, #tpu.memory_space<hbm>>
      tpu.wait_dma2 semaphore(%arg17 : memref<!tpu.dma_semaphore, #tpu.memory_space<semaphore_mem>>) src(%dma_wait3A_789 : memref<32x128xf32, #tpu.memory_space<hbm>>) dst(%dma_wait3A_786 : memref<32x128xf32, #tpu.memory_space<vmem>>)
      %dma_wait3A_790 = arith.constant 10 : i32
      %dma_wait3A_791 = arith.constant 0 : i32
      %dma_wait3A_792 = arith.constant 0 : i32
      %dma_wait3A_793 = tpu.memref_slice %arg7[%dma_wait3A_790, %dma_wait3A_791, %dma_wait3A_792] : memref<16x32x128xf32, #tpu.memory_space<vmem>> -> memref<1x32x128xf32, #tpu.memory_space<vmem>>
      %dma_wait3A_794 = tpu.memref_squeeze %dma_wait3A_793 : memref<1x32x128xf32, #tpu.memory_space<vmem>> -> memref<32x128xf32, #tpu.memory_space<vmem>>
      %dma_wait3A_795 = arith.constant 0 : i32
      %dma_wait3A_796 = arith.constant 0 : i32
      %dma_wait3A_797 = tpu.memref_slice %arg3[%dma_wait3A_795, %dma_wait3A_796] : memref<32x1000001xf32, #tpu.memory_space<hbm>> -> memref<32x128xf32, #tpu.memory_space<hbm>>
      %dma_wait3A_798 = arith.constant 0 : i32
      %dma_wait3A_799 = arith.constant 0 : i32
      %dma_wait3A_800 = tpu.memref_slice %arg7[%dma_wait3A_790, %dma_wait3A_798, %dma_wait3A_799] : memref<16x32x128xf32, #tpu.memory_space<vmem>> -> memref<1x32x128xf32, #tpu.memory_space<vmem>>
      %dma_wait3A_801 = tpu.memref_squeeze %dma_wait3A_800 : memref<1x32x128xf32, #tpu.memory_space<vmem>> -> memref<32x128xf32, #tpu.memory_space<vmem>>
      %dma_wait3A_802 = arith.constant 0 : i32
      %dma_wait3A_803 = arith.constant 0 : i32
      %dma_wait3A_804 = tpu.memref_slice %arg3[%dma_wait3A_802, %dma_wait3A_803] : memref<32x1000001xf32, #tpu.memory_space<hbm>> -> memref<32x128xf32, #tpu.memory_space<hbm>>
      tpu.wait_dma2 semaphore(%arg18 : memref<!tpu.dma_semaphore, #tpu.memory_space<semaphore_mem>>) src(%dma_wait3A_804 : memref<32x128xf32, #tpu.memory_space<hbm>>) dst(%dma_wait3A_801 : memref<32x128xf32, #tpu.memory_space<vmem>>)
      %dma_wait3A_805 = arith.constant 11 : i32
      %dma_wait3A_806 = arith.constant 0 : i32
      %dma_wait3A_807 = arith.constant 0 : i32
      %dma_wait3A_808 = tpu.memref_slice %arg7[%dma_wait3A_805, %dma_wait3A_806, %dma_wait3A_807] : memref<16x32x128xf32, #tpu.memory_space<vmem>> -> memref<1x32x128xf32, #tpu.memory_space<vmem>>
      %dma_wait3A_809 = tpu.memref_squeeze %dma_wait3A_808 : memref<1x32x128xf32, #tpu.memory_space<vmem>> -> memref<32x128xf32, #tpu.memory_space<vmem>>
      %dma_wait3A_810 = arith.constant 0 : i32
      %dma_wait3A_811 = arith.constant 0 : i32
      %dma_wait3A_812 = tpu.memref_slice %arg3[%dma_wait3A_810, %dma_wait3A_811] : memref<32x1000001xf32, #tpu.memory_space<hbm>> -> memref<32x128xf32, #tpu.memory_space<hbm>>
      %dma_wait3A_813 = arith.constant 0 : i32
      %dma_wait3A_814 = arith.constant 0 : i32
      %dma_wait3A_815 = tpu.memref_slice %arg7[%dma_wait3A_805, %dma_wait3A_813, %dma_wait3A_814] : memref<16x32x128xf32, #tpu.memory_space<vmem>> -> memref<1x32x128xf32, #tpu.memory_space<vmem>>
      %dma_wait3A_816 = tpu.memref_squeeze %dma_wait3A_815 : memref<1x32x128xf32, #tpu.memory_space<vmem>> -> memref<32x128xf32, #tpu.memory_space<vmem>>
      %dma_wait3A_817 = arith.constant 0 : i32
      %dma_wait3A_818 = arith.constant 0 : i32
      %dma_wait3A_819 = tpu.memref_slice %arg3[%dma_wait3A_817, %dma_wait3A_818] : memref<32x1000001xf32, #tpu.memory_space<hbm>> -> memref<32x128xf32, #tpu.memory_space<hbm>>
      tpu.wait_dma2 semaphore(%arg19 : memref<!tpu.dma_semaphore, #tpu.memory_space<semaphore_mem>>) src(%dma_wait3A_819 : memref<32x128xf32, #tpu.memory_space<hbm>>) dst(%dma_wait3A_816 : memref<32x128xf32, #tpu.memory_space<vmem>>)
      %dma_wait3A_820 = arith.constant 12 : i32
      %dma_wait3A_821 = arith.constant 0 : i32
      %dma_wait3A_822 = arith.constant 0 : i32
      %dma_wait3A_823 = tpu.memref_slice %arg7[%dma_wait3A_820, %dma_wait3A_821, %dma_wait3A_822] : memref<16x32x128xf32, #tpu.memory_space<vmem>> -> memref<1x32x128xf32, #tpu.memory_space<vmem>>
      %dma_wait3A_824 = tpu.memref_squeeze %dma_wait3A_823 : memref<1x32x128xf32, #tpu.memory_space<vmem>> -> memref<32x128xf32, #tpu.memory_space<vmem>>
      %dma_wait3A_825 = arith.constant 0 : i32
      %dma_wait3A_826 = arith.constant 0 : i32
      %dma_wait3A_827 = tpu.memref_slice %arg3[%dma_wait3A_825, %dma_wait3A_826] : memref<32x1000001xf32, #tpu.memory_space<hbm>> -> memref<32x128xf32, #tpu.memory_space<hbm>>
      %dma_wait3A_828 = arith.constant 0 : i32
      %dma_wait3A_829 = arith.constant 0 : i32
      %dma_wait3A_830 = tpu.memref_slice %arg7[%dma_wait3A_820, %dma_wait3A_828, %dma_wait3A_829] : memref<16x32x128xf32, #tpu.memory_space<vmem>> -> memref<1x32x128xf32, #tpu.memory_space<vmem>>
      %dma_wait3A_831 = tpu.memref_squeeze %dma_wait3A_830 : memref<1x32x128xf32, #tpu.memory_space<vmem>> -> memref<32x128xf32, #tpu.memory_space<vmem>>
      %dma_wait3A_832 = arith.constant 0 : i32
      %dma_wait3A_833 = arith.constant 0 : i32
      %dma_wait3A_834 = tpu.memref_slice %arg3[%dma_wait3A_832, %dma_wait3A_833] : memref<32x1000001xf32, #tpu.memory_space<hbm>> -> memref<32x128xf32, #tpu.memory_space<hbm>>
      tpu.wait_dma2 semaphore(%arg20 : memref<!tpu.dma_semaphore, #tpu.memory_space<semaphore_mem>>) src(%dma_wait3A_834 : memref<32x128xf32, #tpu.memory_space<hbm>>) dst(%dma_wait3A_831 : memref<32x128xf32, #tpu.memory_space<vmem>>)
      %dma_wait3A_835 = arith.constant 13 : i32
      %dma_wait3A_836 = arith.constant 0 : i32
      %dma_wait3A_837 = arith.constant 0 : i32
      %dma_wait3A_838 = tpu.memref_slice %arg7[%dma_wait3A_835, %dma_wait3A_836, %dma_wait3A_837] : memref<16x32x128xf32, #tpu.memory_space<vmem>> -> memref<1x32x128xf32, #tpu.memory_space<vmem>>
      %dma_wait3A_839 = tpu.memref_squeeze %dma_wait3A_838 : memref<1x32x128xf32, #tpu.memory_space<vmem>> -> memref<32x128xf32, #tpu.memory_space<vmem>>
      %dma_wait3A_840 = arith.constant 0 : i32
      %dma_wait3A_841 = arith.constant 0 : i32
      %dma_wait3A_842 = tpu.memref_slice %arg3[%dma_wait3A_840, %dma_wait3A_841] : memref<32x1000001xf32, #tpu.memory_space<hbm>> -> memref<32x128xf32, #tpu.memory_space<hbm>>
      %dma_wait3A_843 = arith.constant 0 : i32
      %dma_wait3A_844 = arith.constant 0 : i32
      %dma_wait3A_845 = tpu.memref_slice %arg7[%dma_wait3A_835, %dma_wait3A_843, %dma_wait3A_844] : memref<16x32x128xf32, #tpu.memory_space<vmem>> -> memref<1x32x128xf32, #tpu.memory_space<vmem>>
      %dma_wait3A_846 = tpu.memref_squeeze %dma_wait3A_845 : memref<1x32x128xf32, #tpu.memory_space<vmem>> -> memref<32x128xf32, #tpu.memory_space<vmem>>
      %dma_wait3A_847 = arith.constant 0 : i32
      %dma_wait3A_848 = arith.constant 0 : i32
      %dma_wait3A_849 = tpu.memref_slice %arg3[%dma_wait3A_847, %dma_wait3A_848] : memref<32x1000001xf32, #tpu.memory_space<hbm>> -> memref<32x128xf32, #tpu.memory_space<hbm>>
      tpu.wait_dma2 semaphore(%arg21 : memref<!tpu.dma_semaphore, #tpu.memory_space<semaphore_mem>>) src(%dma_wait3A_849 : memref<32x128xf32, #tpu.memory_space<hbm>>) dst(%dma_wait3A_846 : memref<32x128xf32, #tpu.memory_space<vmem>>)
      %dma_wait3A_850 = arith.constant 14 : i32
      %dma_wait3A_851 = arith.constant 0 : i32
      %dma_wait3A_852 = arith.constant 0 : i32
      %dma_wait3A_853 = tpu.memref_slice %arg7[%dma_wait3A_850, %dma_wait3A_851, %dma_wait3A_852] : memref<16x32x128xf32, #tpu.memory_space<vmem>> -> memref<1x32x128xf32, #tpu.memory_space<vmem>>
      %dma_wait3A_854 = tpu.memref_squeeze %dma_wait3A_853 : memref<1x32x128xf32, #tpu.memory_space<vmem>> -> memref<32x128xf32, #tpu.memory_space<vmem>>
      %dma_wait3A_855 = arith.constant 0 : i32
      %dma_wait3A_856 = arith.constant 0 : i32
      %dma_wait3A_857 = tpu.memref_slice %arg3[%dma_wait3A_855, %dma_wait3A_856] : memref<32x1000001xf32, #tpu.memory_space<hbm>> -> memref<32x128xf32, #tpu.memory_space<hbm>>
      %dma_wait3A_858 = arith.constant 0 : i32
      %dma_wait3A_859 = arith.constant 0 : i32
      %dma_wait3A_860 = tpu.memref_slice %arg7[%dma_wait3A_850, %dma_wait3A_858, %dma_wait3A_859] : memref<16x32x128xf32, #tpu.memory_space<vmem>> -> memref<1x32x128xf32, #tpu.memory_space<vmem>>
      %dma_wait3A_861 = tpu.memref_squeeze %dma_wait3A_860 : memref<1x32x128xf32, #tpu.memory_space<vmem>> -> memref<32x128xf32, #tpu.memory_space<vmem>>
      %dma_wait3A_862 = arith.constant 0 : i32
      %dma_wait3A_863 = arith.constant 0 : i32
      %dma_wait3A_864 = tpu.memref_slice %arg3[%dma_wait3A_862, %dma_wait3A_863] : memref<32x1000001xf32, #tpu.memory_space<hbm>> -> memref<32x128xf32, #tpu.memory_space<hbm>>
      tpu.wait_dma2 semaphore(%arg22 : memref<!tpu.dma_semaphore, #tpu.memory_space<semaphore_mem>>) src(%dma_wait3A_864 : memref<32x128xf32, #tpu.memory_space<hbm>>) dst(%dma_wait3A_861 : memref<32x128xf32, #tpu.memory_space<vmem>>)
      %dma_wait3A_865 = arith.constant 15 : i32
      %dma_wait3A_866 = arith.constant 0 : i32
      %dma_wait3A_867 = arith.constant 0 : i32
      %dma_wait3A_868 = tpu.memref_slice %arg7[%dma_wait3A_865, %dma_wait3A_866, %dma_wait3A_867] : memref<16x32x128xf32, #tpu.memory_space<vmem>> -> memref<1x32x128xf32, #tpu.memory_space<vmem>>
      %dma_wait3A_869 = tpu.memref_squeeze %dma_wait3A_868 : memref<1x32x128xf32, #tpu.memory_space<vmem>> -> memref<32x128xf32, #tpu.memory_space<vmem>>
      %dma_wait3A_870 = arith.constant 0 : i32
      %dma_wait3A_871 = arith.constant 0 : i32
      %dma_wait3A_872 = tpu.memref_slice %arg3[%dma_wait3A_870, %dma_wait3A_871] : memref<32x1000001xf32, #tpu.memory_space<hbm>> -> memref<32x128xf32, #tpu.memory_space<hbm>>
      %dma_wait3A_873 = arith.constant 0 : i32
      %dma_wait3A_874 = arith.constant 0 : i32
      %dma_wait3A_875 = tpu.memref_slice %arg7[%dma_wait3A_865, %dma_wait3A_873, %dma_wait3A_874] : memref<16x32x128xf32, #tpu.memory_space<vmem>> -> memref<1x32x128xf32, #tpu.memory_space<vmem>>
      %dma_wait3A_876 = tpu.memref_squeeze %dma_wait3A_875 : memref<1x32x128xf32, #tpu.memory_space<vmem>> -> memref<32x128xf32, #tpu.memory_space<vmem>>
      %dma_wait3A_877 = arith.constant 0 : i32
      %dma_wait3A_878 = arith.constant 0 : i32
      %dma_wait3A_879 = tpu.memref_slice %arg3[%dma_wait3A_877, %dma_wait3A_878] : memref<32x1000001xf32, #tpu.memory_space<hbm>> -> memref<32x128xf32, #tpu.memory_space<hbm>>
      tpu.wait_dma2 semaphore(%arg23 : memref<!tpu.dma_semaphore, #tpu.memory_space<semaphore_mem>>) src(%dma_wait3A_879 : memref<32x128xf32, #tpu.memory_space<hbm>>) dst(%dma_wait3A_876 : memref<32x128xf32, #tpu.memory_space<vmem>>)
      %ge3A = arith.constant 8 : i32
      %ge3A_880 = vector.broadcast %ge3A : i32 to vector<16xi32>
      %ge3A_881 = arith.cmpi sge, %iota3A, %ge3A_880 : vector<16xi32>
      %and3A_882 = arith.constant 127 : i32
      %and3A_883 = vector.broadcast %and3A_882 : i32 to vector<16xi32>
      %and3A_884 = arith.andi %get3A_268, %and3A_883 : vector<16xi32>
      %mul3A_885 = arith.constant 16 : i32
      %mul3A_886 = arith.muli %scan3A_264, %mul3A_885 : i32
      %add3A_887 = vector.broadcast %mul3A_886 : i32 to vector<16xi32>
      %add3A_888 = arith.addi %add3A_887, %iota3A : vector<16xi32>
      %broadcast_in_dim3A_889 = arith.constant 0 : i32
      %broadcast_in_dim3A_890 = vector.broadcast %broadcast_in_dim3A_889 : i32 to vector<16xi32>
      %gather3A_891 = tpu.vector_load_idx %arg7[%iota3A, %broadcast_in_dim3A_890, %and3A_884] : memref<16x32x128xf32, #tpu.memory_space<vmem>>[vector<16xi32>, vector<16xi32>, vector<16xi32>], vector<16xf32>,
      tpu.vector_store_idx %arg6[%broadcast_in_dim3A_890, %add3A_888], %gather3A_891 masked %ge3A_881 : memref<32x512xf32, #tpu.memory_space<vmem>>[vector<16xi32>, vector<16xi32>], vector<16xf32>, vector<16xi1>
      %broadcast_in_dim3A_892 = arith.constant 1 : i32
      %broadcast_in_dim3A_893 = vector.broadcast %broadcast_in_dim3A_892 : i32 to vector<16xi32>
      %gather3A_894 = tpu.vector_load_idx %arg7[%iota3A, %broadcast_in_dim3A_893, %and3A_884] : memref<16x32x128xf32, #tpu.memory_space<vmem>>[vector<16xi32>, vector<16xi32>, vector<16xi32>], vector<16xf32>,
      tpu.vector_store_idx %arg6[%broadcast_in_dim3A_893, %add3A_888], %gather3A_894 masked %ge3A_881 : memref<32x512xf32, #tpu.memory_space<vmem>>[vector<16xi32>, vector<16xi32>], vector<16xf32>, vector<16xi1>
      %broadcast_in_dim3A_895 = arith.constant 2 : i32
      %broadcast_in_dim3A_896 = vector.broadcast %broadcast_in_dim3A_895 : i32 to vector<16xi32>
      %gather3A_897 = tpu.vector_load_idx %arg7[%iota3A, %broadcast_in_dim3A_896, %and3A_884] : memref<16x32x128xf32, #tpu.memory_space<vmem>>[vector<16xi32>, vector<16xi32>, vector<16xi32>], vector<16xf32>,
      tpu.vector_store_idx %arg6[%broadcast_in_dim3A_896, %add3A_888], %gather3A_897 masked %ge3A_881 : memref<32x512xf32, #tpu.memory_space<vmem>>[vector<16xi32>, vector<16xi32>], vector<16xf32>, vector<16xi1>
      %broadcast_in_dim3A_898 = arith.constant 3 : i32
      %broadcast_in_dim3A_899 = vector.broadcast %broadcast_in_dim3A_898 : i32 to vector<16xi32>
      %gather3A_900 = tpu.vector_load_idx %arg7[%iota3A, %broadcast_in_dim3A_899, %and3A_884] : memref<16x32x128xf32, #tpu.memory_space<vmem>>[vector<16xi32>, vector<16xi32>, vector<16xi32>], vector<16xf32>,
      tpu.vector_store_idx %arg6[%broadcast_in_dim3A_899, %add3A_888], %gather3A_900 masked %ge3A_881 : memref<32x512xf32, #tpu.memory_space<vmem>>[vector<16xi32>, vector<16xi32>], vector<16xf32>, vector<16xi1>
      %broadcast_in_dim3A_901 = arith.constant 4 : i32
      %broadcast_in_dim3A_902 = vector.broadcast %broadcast_in_dim3A_901 : i32 to vector<16xi32>
      %gather3A_903 = tpu.vector_load_idx %arg7[%iota3A, %broadcast_in_dim3A_902, %and3A_884] : memref<16x32x128xf32, #tpu.memory_space<vmem>>[vector<16xi32>, vector<16xi32>, vector<16xi32>], vector<16xf32>,
      tpu.vector_store_idx %arg6[%broadcast_in_dim3A_902, %add3A_888], %gather3A_903 masked %ge3A_881 : memref<32x512xf32, #tpu.memory_space<vmem>>[vector<16xi32>, vector<16xi32>], vector<16xf32>, vector<16xi1>
      %broadcast_in_dim3A_904 = arith.constant 5 : i32
      %broadcast_in_dim3A_905 = vector.broadcast %broadcast_in_dim3A_904 : i32 to vector<16xi32>
      %gather3A_906 = tpu.vector_load_idx %arg7[%iota3A, %broadcast_in_dim3A_905, %and3A_884] : memref<16x32x128xf32, #tpu.memory_space<vmem>>[vector<16xi32>, vector<16xi32>, vector<16xi32>], vector<16xf32>,
      tpu.vector_store_idx %arg6[%broadcast_in_dim3A_905, %add3A_888], %gather3A_906 masked %ge3A_881 : memref<32x512xf32, #tpu.memory_space<vmem>>[vector<16xi32>, vector<16xi32>], vector<16xf32>, vector<16xi1>
      %broadcast_in_dim3A_907 = arith.constant 6 : i32
      %broadcast_in_dim3A_908 = vector.broadcast %broadcast_in_dim3A_907 : i32 to vector<16xi32>
      %gather3A_909 = tpu.vector_load_idx %arg7[%iota3A, %broadcast_in_dim3A_908, %and3A_884] : memref<16x32x128xf32, #tpu.memory_space<vmem>>[vector<16xi32>, vector<16xi32>, vector<16xi32>], vector<16xf32>,
      tpu.vector_store_idx %arg6[%broadcast_in_dim3A_908, %add3A_888], %gather3A_909 masked %ge3A_881 : memref<32x512xf32, #tpu.memory_space<vmem>>[vector<16xi32>, vector<16xi32>], vector<16xf32>, vector<16xi1>
      %broadcast_in_dim3A_910 = arith.constant 7 : i32
      %broadcast_in_dim3A_911 = vector.broadcast %broadcast_in_dim3A_910 : i32 to vector<16xi32>
      %gather3A_912 = tpu.vector_load_idx %arg7[%iota3A, %broadcast_in_dim3A_911, %and3A_884] : memref<16x32x128xf32, #tpu.memory_space<vmem>>[vector<16xi32>, vector<16xi32>, vector<16xi32>], vector<16xf32>,
      tpu.vector_store_idx %arg6[%broadcast_in_dim3A_911, %add3A_888], %gather3A_912 masked %ge3A_881 : memref<32x512xf32, #tpu.memory_space<vmem>>[vector<16xi32>, vector<16xi32>], vector<16xf32>, vector<16xi1>
      %broadcast_in_dim3A_913 = arith.constant 8 : i32
      %broadcast_in_dim3A_914 = vector.broadcast %broadcast_in_dim3A_913 : i32 to vector<16xi32>
      %gather3A_915 = tpu.vector_load_idx %arg7[%iota3A, %broadcast_in_dim3A_914, %and3A_884] : memref<16x32x128xf32, #tpu.memory_space<vmem>>[vector<16xi32>, vector<16xi32>, vector<16xi32>], vector<16xf32>,
      tpu.vector_store_idx %arg6[%broadcast_in_dim3A_914, %add3A_888], %gather3A_915 masked %ge3A_881 : memref<32x512xf32, #tpu.memory_space<vmem>>[vector<16xi32>, vector<16xi32>], vector<16xf32>, vector<16xi1>
      %broadcast_in_dim3A_916 = arith.constant 9 : i32
      %broadcast_in_dim3A_917 = vector.broadcast %broadcast_in_dim3A_916 : i32 to vector<16xi32>
      %gather3A_918 = tpu.vector_load_idx %arg7[%iota3A, %broadcast_in_dim3A_917, %and3A_884] : memref<16x32x128xf32, #tpu.memory_space<vmem>>[vector<16xi32>, vector<16xi32>, vector<16xi32>], vector<16xf32>,
      tpu.vector_store_idx %arg6[%broadcast_in_dim3A_917, %add3A_888], %gather3A_918 masked %ge3A_881 : memref<32x512xf32, #tpu.memory_space<vmem>>[vector<16xi32>, vector<16xi32>], vector<16xf32>, vector<16xi1>
      %broadcast_in_dim3A_919 = arith.constant 10 : i32
      %broadcast_in_dim3A_920 = vector.broadcast %broadcast_in_dim3A_919 : i32 to vector<16xi32>
      %gather3A_921 = tpu.vector_load_idx %arg7[%iota3A, %broadcast_in_dim3A_920, %and3A_884] : memref<16x32x128xf32, #tpu.memory_space<vmem>>[vector<16xi32>, vector<16xi32>, vector<16xi32>], vector<16xf32>,
      tpu.vector_store_idx %arg6[%broadcast_in_dim3A_920, %add3A_888], %gather3A_921 masked %ge3A_881 : memref<32x512xf32, #tpu.memory_space<vmem>>[vector<16xi32>, vector<16xi32>], vector<16xf32>, vector<16xi1>
      %broadcast_in_dim3A_922 = arith.constant 11 : i32
      %broadcast_in_dim3A_923 = vector.broadcast %broadcast_in_dim3A_922 : i32 to vector<16xi32>
      %gather3A_924 = tpu.vector_load_idx %arg7[%iota3A, %broadcast_in_dim3A_923, %and3A_884] : memref<16x32x128xf32, #tpu.memory_space<vmem>>[vector<16xi32>, vector<16xi32>, vector<16xi32>], vector<16xf32>,
      tpu.vector_store_idx %arg6[%broadcast_in_dim3A_923, %add3A_888], %gather3A_924 masked %ge3A_881 : memref<32x512xf32, #tpu.memory_space<vmem>>[vector<16xi32>, vector<16xi32>], vector<16xf32>, vector<16xi1>
      %broadcast_in_dim3A_925 = arith.constant 12 : i32
      %broadcast_in_dim3A_926 = vector.broadcast %broadcast_in_dim3A_925 : i32 to vector<16xi32>
      %gather3A_927 = tpu.vector_load_idx %arg7[%iota3A, %broadcast_in_dim3A_926, %and3A_884] : memref<16x32x128xf32, #tpu.memory_space<vmem>>[vector<16xi32>, vector<16xi32>, vector<16xi32>], vector<16xf32>,
      tpu.vector_store_idx %arg6[%broadcast_in_dim3A_926, %add3A_888], %gather3A_927 masked %ge3A_881 : memref<32x512xf32, #tpu.memory_space<vmem>>[vector<16xi32>, vector<16xi32>], vector<16xf32>, vector<16xi1>
      %broadcast_in_dim3A_928 = arith.constant 13 : i32
      %broadcast_in_dim3A_929 = vector.broadcast %broadcast_in_dim3A_928 : i32 to vector<16xi32>
      %gather3A_930 = tpu.vector_load_idx %arg7[%iota3A, %broadcast_in_dim3A_929, %and3A_884] : memref<16x32x128xf32, #tpu.memory_space<vmem>>[vector<16xi32>, vector<16xi32>, vector<16xi32>], vector<16xf32>,
      tpu.vector_store_idx %arg6[%broadcast_in_dim3A_929, %add3A_888], %gather3A_930 masked %ge3A_881 : memref<32x512xf32, #tpu.memory_space<vmem>>[vector<16xi32>, vector<16xi32>], vector<16xf32>, vector<16xi1>
      %broadcast_in_dim3A_931 = arith.constant 14 : i32
      %broadcast_in_dim3A_932 = vector.broadcast %broadcast_in_dim3A_931 : i32 to vector<16xi32>
      %gather3A_933 = tpu.vector_load_idx %arg7[%iota3A, %broadcast_in_dim3A_932, %and3A_884] : memref<16x32x128xf32, #tpu.memory_space<vmem>>[vector<16xi32>, vector<16xi32>, vector<16xi32>], vector<16xf32>,
      tpu.vector_store_idx %arg6[%broadcast_in_dim3A_932, %add3A_888], %gather3A_933 masked %ge3A_881 : memref<32x512xf32, #tpu.memory_space<vmem>>[vector<16xi32>, vector<16xi32>], vector<16xf32>, vector<16xi1>
      %broadcast_in_dim3A_934 = arith.constant 15 : i32
      %broadcast_in_dim3A_935 = vector.broadcast %broadcast_in_dim3A_934 : i32 to vector<16xi32>
      %gather3A_936 = tpu.vector_load_idx %arg7[%iota3A, %broadcast_in_dim3A_935, %and3A_884] : memref<16x32x128xf32, #tpu.memory_space<vmem>>[vector<16xi32>, vector<16xi32>, vector<16xi32>], vector<16xf32>,
      tpu.vector_store_idx %arg6[%broadcast_in_dim3A_935, %add3A_888], %gather3A_936 masked %ge3A_881 : memref<32x512xf32, #tpu.memory_space<vmem>>[vector<16xi32>, vector<16xi32>], vector<16xf32>, vector<16xi1>
      %broadcast_in_dim3A_937 = arith.constant 16 : i32
      %broadcast_in_dim3A_938 = vector.broadcast %broadcast_in_dim3A_937 : i32 to vector<16xi32>
      %gather3A_939 = tpu.vector_load_idx %arg7[%iota3A, %broadcast_in_dim3A_938, %and3A_884] : memref<16x32x128xf32, #tpu.memory_space<vmem>>[vector<16xi32>, vector<16xi32>, vector<16xi32>], vector<16xf32>,
      tpu.vector_store_idx %arg6[%broadcast_in_dim3A_938, %add3A_888], %gather3A_939 masked %ge3A_881 : memref<32x512xf32, #tpu.memory_space<vmem>>[vector<16xi32>, vector<16xi32>], vector<16xf32>, vector<16xi1>
      %broadcast_in_dim3A_940 = arith.constant 17 : i32
      %broadcast_in_dim3A_941 = vector.broadcast %broadcast_in_dim3A_940 : i32 to vector<16xi32>
      %gather3A_942 = tpu.vector_load_idx %arg7[%iota3A, %broadcast_in_dim3A_941, %and3A_884] : memref<16x32x128xf32, #tpu.memory_space<vmem>>[vector<16xi32>, vector<16xi32>, vector<16xi32>], vector<16xf32>,
      tpu.vector_store_idx %arg6[%broadcast_in_dim3A_941, %add3A_888], %gather3A_942 masked %ge3A_881 : memref<32x512xf32, #tpu.memory_space<vmem>>[vector<16xi32>, vector<16xi32>], vector<16xf32>, vector<16xi1>
      %broadcast_in_dim3A_943 = arith.constant 18 : i32
      %broadcast_in_dim3A_944 = vector.broadcast %broadcast_in_dim3A_943 : i32 to vector<16xi32>
      %gather3A_945 = tpu.vector_load_idx %arg7[%iota3A, %broadcast_in_dim3A_944, %and3A_884] : memref<16x32x128xf32, #tpu.memory_space<vmem>>[vector<16xi32>, vector<16xi32>, vector<16xi32>], vector<16xf32>,
      tpu.vector_store_idx %arg6[%broadcast_in_dim3A_944, %add3A_888], %gather3A_945 masked %ge3A_881 : memref<32x512xf32, #tpu.memory_space<vmem>>[vector<16xi32>, vector<16xi32>], vector<16xf32>, vector<16xi1>
      %broadcast_in_dim3A_946 = arith.constant 19 : i32
      %broadcast_in_dim3A_947 = vector.broadcast %broadcast_in_dim3A_946 : i32 to vector<16xi32>
      %gather3A_948 = tpu.vector_load_idx %arg7[%iota3A, %broadcast_in_dim3A_947, %and3A_884] : memref<16x32x128xf32, #tpu.memory_space<vmem>>[vector<16xi32>, vector<16xi32>, vector<16xi32>], vector<16xf32>,
      tpu.vector_store_idx %arg6[%broadcast_in_dim3A_947, %add3A_888], %gather3A_948 masked %ge3A_881 : memref<32x512xf32, #tpu.memory_space<vmem>>[vector<16xi32>, vector<16xi32>], vector<16xf32>, vector<16xi1>
      %broadcast_in_dim3A_949 = arith.constant 20 : i32
      %broadcast_in_dim3A_950 = vector.broadcast %broadcast_in_dim3A_949 : i32 to vector<16xi32>
      %gather3A_951 = tpu.vector_load_idx %arg7[%iota3A, %broadcast_in_dim3A_950, %and3A_884] : memref<16x32x128xf32, #tpu.memory_space<vmem>>[vector<16xi32>, vector<16xi32>, vector<16xi32>], vector<16xf32>,
      tpu.vector_store_idx %arg6[%broadcast_in_dim3A_950, %add3A_888], %gather3A_951 masked %ge3A_881 : memref<32x512xf32, #tpu.memory_space<vmem>>[vector<16xi32>, vector<16xi32>], vector<16xf32>, vector<16xi1>
      %broadcast_in_dim3A_952 = arith.constant 21 : i32
      %broadcast_in_dim3A_953 = vector.broadcast %broadcast_in_dim3A_952 : i32 to vector<16xi32>
      %gather3A_954 = tpu.vector_load_idx %arg7[%iota3A, %broadcast_in_dim3A_953, %and3A_884] : memref<16x32x128xf32, #tpu.memory_space<vmem>>[vector<16xi32>, vector<16xi32>, vector<16xi32>], vector<16xf32>,
      tpu.vector_store_idx %arg6[%broadcast_in_dim3A_953, %add3A_888], %gather3A_954 masked %ge3A_881 : memref<32x512xf32, #tpu.memory_space<vmem>>[vector<16xi32>, vector<16xi32>], vector<16xf32>, vector<16xi1>
      %broadcast_in_dim3A_955 = arith.constant 22 : i32
      %broadcast_in_dim3A_956 = vector.broadcast %broadcast_in_dim3A_955 : i32 to vector<16xi32>
      %gather3A_957 = tpu.vector_load_idx %arg7[%iota3A, %broadcast_in_dim3A_956, %and3A_884] : memref<16x32x128xf32, #tpu.memory_space<vmem>>[vector<16xi32>, vector<16xi32>, vector<16xi32>], vector<16xf32>,
      tpu.vector_store_idx %arg6[%broadcast_in_dim3A_956, %add3A_888], %gather3A_957 masked %ge3A_881 : memref<32x512xf32, #tpu.memory_space<vmem>>[vector<16xi32>, vector<16xi32>], vector<16xf32>, vector<16xi1>
      %broadcast_in_dim3A_958 = arith.constant 23 : i32
      %broadcast_in_dim3A_959 = vector.broadcast %broadcast_in_dim3A_958 : i32 to vector<16xi32>
      %gather3A_960 = tpu.vector_load_idx %arg7[%iota3A, %broadcast_in_dim3A_959, %and3A_884] : memref<16x32x128xf32, #tpu.memory_space<vmem>>[vector<16xi32>, vector<16xi32>, vector<16xi32>], vector<16xf32>,
      tpu.vector_store_idx %arg6[%broadcast_in_dim3A_959, %add3A_888], %gather3A_960 masked %ge3A_881 : memref<32x512xf32, #tpu.memory_space<vmem>>[vector<16xi32>, vector<16xi32>], vector<16xf32>, vector<16xi1>
      %broadcast_in_dim3A_961 = arith.constant 24 : i32
      %broadcast_in_dim3A_962 = vector.broadcast %broadcast_in_dim3A_961 : i32 to vector<16xi32>
      %gather3A_963 = tpu.vector_load_idx %arg7[%iota3A, %broadcast_in_dim3A_962, %and3A_884] : memref<16x32x128xf32, #tpu.memory_space<vmem>>[vector<16xi32>, vector<16xi32>, vector<16xi32>], vector<16xf32>,
      tpu.vector_store_idx %arg6[%broadcast_in_dim3A_962, %add3A_888], %gather3A_963 masked %ge3A_881 : memref<32x512xf32, #tpu.memory_space<vmem>>[vector<16xi32>, vector<16xi32>], vector<16xf32>, vector<16xi1>
      %broadcast_in_dim3A_964 = arith.constant 25 : i32
      %broadcast_in_dim3A_965 = vector.broadcast %broadcast_in_dim3A_964 : i32 to vector<16xi32>
      %gather3A_966 = tpu.vector_load_idx %arg7[%iota3A, %broadcast_in_dim3A_965, %and3A_884] : memref<16x32x128xf32, #tpu.memory_space<vmem>>[vector<16xi32>, vector<16xi32>, vector<16xi32>], vector<16xf32>,
      tpu.vector_store_idx %arg6[%broadcast_in_dim3A_965, %add3A_888], %gather3A_966 masked %ge3A_881 : memref<32x512xf32, #tpu.memory_space<vmem>>[vector<16xi32>, vector<16xi32>], vector<16xf32>, vector<16xi1>
      %broadcast_in_dim3A_967 = arith.constant 26 : i32
      %broadcast_in_dim3A_968 = vector.broadcast %broadcast_in_dim3A_967 : i32 to vector<16xi32>
      %gather3A_969 = tpu.vector_load_idx %arg7[%iota3A, %broadcast_in_dim3A_968, %and3A_884] : memref<16x32x128xf32, #tpu.memory_space<vmem>>[vector<16xi32>, vector<16xi32>, vector<16xi32>], vector<16xf32>,
      tpu.vector_store_idx %arg6[%broadcast_in_dim3A_968, %add3A_888], %gather3A_969 masked %ge3A_881 : memref<32x512xf32, #tpu.memory_space<vmem>>[vector<16xi32>, vector<16xi32>], vector<16xf32>, vector<16xi1>
      %broadcast_in_dim3A_970 = arith.constant 27 : i32
      %broadcast_in_dim3A_971 = vector.broadcast %broadcast_in_dim3A_970 : i32 to vector<16xi32>
      %gather3A_972 = tpu.vector_load_idx %arg7[%iota3A, %broadcast_in_dim3A_971, %and3A_884] : memref<16x32x128xf32, #tpu.memory_space<vmem>>[vector<16xi32>, vector<16xi32>, vector<16xi32>], vector<16xf32>,
      tpu.vector_store_idx %arg6[%broadcast_in_dim3A_971, %add3A_888], %gather3A_972 masked %ge3A_881 : memref<32x512xf32, #tpu.memory_space<vmem>>[vector<16xi32>, vector<16xi32>], vector<16xf32>, vector<16xi1>
      %broadcast_in_dim3A_973 = arith.constant 28 : i32
      %broadcast_in_dim3A_974 = vector.broadcast %broadcast_in_dim3A_973 : i32 to vector<16xi32>
      %gather3A_975 = tpu.vector_load_idx %arg7[%iota3A, %broadcast_in_dim3A_974, %and3A_884] : memref<16x32x128xf32, #tpu.memory_space<vmem>>[vector<16xi32>, vector<16xi32>, vector<16xi32>], vector<16xf32>,
      tpu.vector_store_idx %arg6[%broadcast_in_dim3A_974, %add3A_888], %gather3A_975 masked %ge3A_881 : memref<32x512xf32, #tpu.memory_space<vmem>>[vector<16xi32>, vector<16xi32>], vector<16xf32>, vector<16xi1>
      %broadcast_in_dim3A_976 = arith.constant 29 : i32
      %broadcast_in_dim3A_977 = vector.broadcast %broadcast_in_dim3A_976 : i32 to vector<16xi32>
      %gather3A_978 = tpu.vector_load_idx %arg7[%iota3A, %broadcast_in_dim3A_977, %and3A_884] : memref<16x32x128xf32, #tpu.memory_space<vmem>>[vector<16xi32>, vector<16xi32>, vector<16xi32>], vector<16xf32>,
      tpu.vector_store_idx %arg6[%broadcast_in_dim3A_977, %add3A_888], %gather3A_978 masked %ge3A_881 : memref<32x512xf32, #tpu.memory_space<vmem>>[vector<16xi32>, vector<16xi32>], vector<16xf32>, vector<16xi1>
      %broadcast_in_dim3A_979 = arith.constant 30 : i32
      %broadcast_in_dim3A_980 = vector.broadcast %broadcast_in_dim3A_979 : i32 to vector<16xi32>
      %gather3A_981 = tpu.vector_load_idx %arg7[%iota3A, %broadcast_in_dim3A_980, %and3A_884] : memref<16x32x128xf32, #tpu.memory_space<vmem>>[vector<16xi32>, vector<16xi32>, vector<16xi32>], vector<16xf32>,
      tpu.vector_store_idx %arg6[%broadcast_in_dim3A_980, %add3A_888], %gather3A_981 masked %ge3A_881 : memref<32x512xf32, #tpu.memory_space<vmem>>[vector<16xi32>, vector<16xi32>], vector<16xf32>, vector<16xi1>
      %broadcast_in_dim3A_982 = arith.constant 31 : i32
      %broadcast_in_dim3A_983 = vector.broadcast %broadcast_in_dim3A_982 : i32 to vector<16xi32>
      %gather3A_984 = tpu.vector_load_idx %arg7[%iota3A, %broadcast_in_dim3A_983, %and3A_884] : memref<16x32x128xf32, #tpu.memory_space<vmem>>[vector<16xi32>, vector<16xi32>, vector<16xi32>], vector<16xf32>,
      tpu.vector_store_idx %arg6[%broadcast_in_dim3A_983, %add3A_888], %gather3A_984 masked %ge3A_881 : memref<32x512xf32, #tpu.memory_space<vmem>>[vector<16xi32>, vector<16xi32>], vector<16xf32>, vector<16xi1>
    }
    %scan3A_263 = arith.constant 32 : i32
    "tpu.region"() ({
      %run_scoped3A = tpu.sem_alloc : memref<!tpu.dma_semaphore, #tpu.memory_space<semaphore_mem>>
      %dma_start3A_264 = arith.constant 0 : i32
      %dma_start3A_265 = tpu.memref_slice %arg4[%dma_start3A_264, %mul3A_2] : memref<32x16384xf32, #tpu.memory_space<hbm>> -> memref<32x512xf32, #tpu.memory_space<hbm>>
      %dma_start3A_266 = arith.constant 0 : i32
      %dma_start3A_267 = tpu.memref_slice %arg4[%dma_start3A_266, %mul3A_2] : memref<32x16384xf32, #tpu.memory_space<hbm>> -> memref<32x512xf32, #tpu.memory_space<hbm>>
      tpu.enqueue_dma source(%arg6 : memref<32x512xf32, #tpu.memory_space<vmem>>) target(%dma_start3A_267 : memref<32x512xf32, #tpu.memory_space<hbm>>) target_semaphore(%run_scoped3A : memref<!tpu.dma_semaphore, #tpu.memory_space<semaphore_mem>>)
      %dma_wait3A = arith.constant 0 : i32
      %dma_wait3A_268 = tpu.memref_slice %arg4[%dma_wait3A, %mul3A_2] : memref<32x16384xf32, #tpu.memory_space<hbm>> -> memref<32x512xf32, #tpu.memory_space<hbm>>
      %dma_wait3A_269 = arith.constant 0 : i32
      %dma_wait3A_270 = tpu.memref_slice %arg4[%dma_wait3A_269, %mul3A_2] : memref<32x16384xf32, #tpu.memory_space<hbm>> -> memref<32x512xf32, #tpu.memory_space<hbm>>
      tpu.wait_dma2 semaphore(%run_scoped3A : memref<!tpu.dma_semaphore, #tpu.memory_space<semaphore_mem>>) src(%arg6 : memref<32x512xf32, #tpu.memory_space<vmem>>) dst(%dma_wait3A_270 : memref<32x512xf32, #tpu.memory_space<hbm>>)
      tpu.yield
    }) : () -> ()
    return
  }
}

</mosaic_0001>

<sc_bundles>
// kernel: _gather.3.cloned.1.call-start
scs
__scs_entry_jumppad:
0x0: {  	(pc) =	sbr.rel $0x88, $3  }
0x1: {  	(tag) =	ssettag $0x0;
	lr =	simm.s32 $0x1  }
0x2: {  	[smem:$0x3F9F] =	sst lr;
	_ =	strace $0xD0000000  }
0x3: {  	_ = 	snop  }
0x4: {  	_ = 	snop  }
0x5: {  	_ = 	snop  }
0x6: {  	_ = 	snop  }
0x7: {  	_ = 	snop  }
__scs_overlays_trampoline_lowered:
0x8: {  	[smem:$0x3FAE] =	sst s0  }
0x9: {  	[smem:$0x3FAF] =	sst s1  }
0xa: {  	[smem:$0x3FB0] =	sst s2  }
0xb: {  	[smem:$0x3FB1] =	sst s3  }
0xc: {  	[smem:$0x3FB2] =	sst s4  }
0xd: {  	[smem:$0x3FB3] =	sst s5  }
0xe: {  	[smem:$0x3FB4] =	sst s6  }
0xf: {  	[smem:$0x3FB5] =	sst s7  }
0x10: {  	[smem:$0x3FB6] =	sst s8  }
0x11: {  	[smem:$0x3FB7] =	sst s9;
	s0 =	simm.s32 @!p0 $0x0  }
0x12: {  	s1 =	sld [smem:$0x3F9D];
	s0 =	simm.s32 @p0 $0x1  }
0x13: {  	[smem:$0x3FB8] =	sst s0;
	s0 =	simm.s32 @!p1 $0x0  }
0x14: {  	s2 =	sld [smem:$0x3F9C];
	s0 =	simm.s32 @p1 $0x1  }
0x15: {  	[smem:$0x3FB9] =	sst s0;
	s0 =	simm.s32 @!p2 $0x0  }
0x16: {  	s3 =	sld [smem:$0x3FDB];
	s0 =	simm.s32 @p2 $0x1  }
0x17: {  	s4 =	simm.s32 $0x1BF5;
	[smem:$0x3FBB] =	sst s0  }
0x18: {  	s0 =	sld [smem:$0x3F9E];
	_ =	swait.ge [sflag:s4], $0x0  }
0x19: {  	s7 =	sld [smem:$0x3F9F]  }
0x1a: {  	s8 =	sadd.s32 $0xFFFFE003, lr  }
0x1b: {  	s9 =	sadd.s32 $0xFFFFFEF7, lr;
	s5 =	simm.s32 $0xFFFFFFFF;
	p2 =	slt.u32 s8, $0xFFFFF086  }
0x1c: {  	p1 =	slt.u32 s9, $0xF7A;
	s5 =	simm.s32 @!p2 $0x0  }
0x1d: {  	s5 =	simm.s32 @p1 $0x1;
	p0 =	seq.s32 s7, s2  }
0x1e: {  	s7 =	smul.u32 @!p0 $0xF7A, s2;
	p2 =	seq.s32 @!p0 s5, $0x0  }
0x1f: {  	s9 =	smul.u32 $0xF7A, s1;
	s8 =	simm.s32 @!p0 $0x1BF5;
	p2 =	por !p2, p0  }
0x20: {  	[sflag:s8] =	ssyncset.s32 @!p0 $0xFFFFF086;
	s6 =	sadd.s32 @!p0 s3, s7;
	s7 =	simm.s32 @!p0 $0x108  }
0x21: {  	s3 =	sadd.s32 s3, s9;
	s6 =	sadd.s32 @!p0 $0x88, s6;
	s7 =	simm.s32 @p2 $0x1082  }
0x22: {  	[simem:s7], [sflag:s8] =	dma.local @!p0 [hbm:s6], $0xF7A  }
0x23: {  	s9 =	sor.u32 $0xD0000000, s2;
	s6 =	simm.s32 $0x108;
	_ =	swait.ge @!p0 [sflag:s8], $0x0  }
0x24: {  	s3 =	sadd.s32 $0x88, s3;
	s6 =	simm.s32 @!p1 $0x1082;
	[sflag:s4] =	ssyncset.s32 $0xFFFFF086  }
0x25: {  	[simem:s6], [sflag:s4] =	dma.local [hbm:s3], $0xF7A  }
0x26: {  	[smem:$0x3F9F] =	sst s1;
	(tag) =	ssettag s2;
	_ =	strace s9  }
0x27: {  	s1 =	sld [smem:$0x3FAF]  }
0x28: {  	s2 =	sld [smem:$0x3FB0]  }
0x29: {  	s4 =	sld [smem:$0x3FB2]  }
0x2a: {  	p0 =	seq.s32 s5, $0x0;
	s5 =	sld [smem:$0x3FB3]  }
0x2b: {  	s6 =	sld [smem:$0x3FB4]  }
0x2c: {  	s7 =	sld [smem:$0x3FB5]  }
0x2d: {  	s3 =	simm.s32 $0x108;
	s8 =	sld [smem:$0x3FB6]  }
0x2e: {  	s3 =	simm.s32 @!p0 $0x1082;
	s9 =	sld [smem:$0x3FB7]  }
0x2f: {  	lr =	sadd.s32 s0, s3;
	s0 =	sld [smem:$0x3FAE]  }
0x30: {  	s3 =	sld [smem:$0x3FB1]  }
0x31: {  	[smem:$0x3FBA] =	sst s10  }
0x32: {  	s10 =	sld [smem:$0x3FB8];
	_ =	sdelay $0x3  }
0x33: {  	p0 =	seq.s32 s10, $0x1;
	s10 =	sld [smem:$0x3FBA];
	_ =	sdelay $0x3  }
0x34: {  	[smem:$0x3FBA] =	sst s10  }
0x35: {  	s10 =	sld [smem:$0x3FB9];
	_ =	sdelay $0x3  }
0x36: {  	p1 =	seq.s32 s10, $0x1;
	s10 =	sld [smem:$0x3FBA];
	_ =	sdelay $0x3  }
0x37: {  	[smem:$0x3FBA] =	sst s10  }
0x38: {  	s10 =	sld [smem:$0x3FBB]  }
0x39: {  	_ = 	snop;
	(pc) =	sbr.ind lr, $3  }
0x3a: {  	_ = 	snop  }
0x3b: {  	_ = 	snop  }
0x3c: {  	p2 =	seq.s32 s10, $0x1;
	s10 =	sld [smem:$0x3FBA]  }
0x3d: {  	_ =	shalt  }
0x3e: {  	_ =	shalt  }
0x3f: {  	_ =	shalt  }
0x40: {  	_ =	shalt  }
0x41: {  	_ =	shalt  }
0x42: {  	_ =	shalt  }
0x43: {  	_ =	shalt  }
0x44: {  	_ =	shalt  }
0x45: {  	_ =	shalt  }
0x46: {  	_ =	shalt  }
0x47: {  	_ =	shalt  }
0x48: {  	_ =	shalt  }
0x49: {  	_ =	shalt  }
0x4a: {  	_ =	shalt  }
0x4b: {  	_ =	shalt  }
0x4c: {  	_ =	shalt  }
0x4d: {  	_ =	shalt  }
0x4e: {  	_ =	shalt  }
0x4f: {  	_ =	shalt  }
0x50: {  	_ =	shalt  }
0x51: {  	_ =	shalt  }
0x52: {  	_ =	shalt  }
0x53: {  	_ =	shalt  }
0x54: {  	_ =	shalt  }
0x55: {  	_ =	shalt  }
0x56: {  	_ =	shalt  }
0x57: {  	_ =	shalt  }
0x58: {  	_ =	shalt  }
0x59: {  	_ =	shalt  }
0x5a: {  	_ =	shalt  }
0x5b: {  	_ =	shalt  }
0x5c: {  	_ =	shalt  }
0x5d: {  	_ =	shalt  }
0x5e: {  	_ =	shalt  }
0x5f: {  	_ =	shalt  }
0x60: {  	_ =	shalt  }
0x61: {  	_ =	shalt  }
0x62: {  	_ =	shalt  }
0x63: {  	_ =	shalt  }
0x64: {  	_ =	shalt  }
0x65: {  	_ =	shalt  }
0x66: {  	_ =	shalt  }
0x67: {  	_ =	shalt  }
0x68: {  	_ =	shalt  }
0x69: {  	_ =	shalt  }
0x6a: {  	_ =	shalt  }
0x6b: {  	_ =	shalt  }
0x6c: {  	_ =	shalt  }
0x6d: {  	_ =	shalt  }
0x6e: {  	_ =	shalt  }
0x6f: {  	_ =	shalt  }
0x70: {  	_ =	shalt  }
0x71: {  	_ =	shalt  }
0x72: {  	_ =	shalt  }
0x73: {  	_ =	shalt  }
0x74: {  	_ =	shalt  }
0x75: {  	_ =	shalt  }
0x76: {  	_ =	shalt  }
0x77: {  	_ =	shalt  }
0x78: {  	_ =	shalt  }
0x79: {  	_ =	shalt  }
0x7a: {  	_ =	shalt  }
0x7b: {  	_ =	shalt  }
0x7c: {  	_ =	shalt  }
0x7d: {  	_ =	shalt  }
0x7e: {  	_ =	shalt  }
0x7f: {  	_ =	shalt  }
0x80: {  	_ =	shalt  }
0x81: {  	_ =	shalt  }
0x82: {  	_ =	shalt  }
0x83: {  	_ =	shalt  }
0x84: {  	_ =	shalt  }
0x85: {  	_ =	shalt  }
0x86: {  	_ =	shalt  }
0x87: {  	_ =	shalt  }
.Lfunc_end0:
.L_simem_size_0:
called_computation_lowered:
.L_overlay_start_0:
0x88: {  	s2 =	sld [smem:$0x3FD9]  }
0x89: {  	s3 =	sld [smem:$0x3FFE];
	_ =	sdelay $0x1  }
0x8a: {  	s1 =	srdreg.scid  }
0x8b: {  	s0 =	sand.u32 $0x1, s1  }
0x8c: {  	s18 =	sshll.u32 s0, $0xA;
	s2 =	sadd.s32 s3, s2  }
0x8d: {  	s2 =	sadd.s32 s2, s18  }
0x8e: {  	[smem:$0x3FC6] =	sst s2  }
0x8f: {  	_ = 	snop  }
0x90: {  	s2 =	sld [smem:$0x3FC9]  }
0x91: {  	s19 =	sld [smem:$0x3FC8]  }
0x92: {  	s4 =	sld [smem:$0x3FD0];
	(tm) =	ssettm $0x1  }
0x93: {  	s5 =	sld [smem:$0x3FFB];
	_ =	sdelay $0x3  }
0x94: {  	_ =	strace s5  }
0x95: {  	s5 =	sld [smem:$0x3FFC];
	_ =	sdelay $0x3  }
0x96: {  	_ =	strace s5  }
0x97: {  	s5 =	sld [smem:$0x3FFD];
	_ =	sdelay $0x3  }
0x98: {  	_ =	strace s5  }
0x99: {  	_ =	strace $0x8FFFFFFF  }
0x9a: {  	s20 =	sld [smem:$0x3FDB];
	_ =	sdelay $0x1  }
0x9b: {  	s6 =	simm.s32 $_scs_section_size  }
0x9c: {  	s7 =	simm.s32 $_size__tile_overlayer_lowered;
	s8 =	simm.s32 $_tile_overlayer_lowered  }
0x9d: {  	s23 =	simm.s32 $0x1BFF;
	s22 =	sshll.u32 s8, $0x1;
	s5 =	sadd.s32 s6, s20  }
0x9e: {  	s9 =	simm.s32 $0x0;
	s21 =	sshll.u32 s7, $0x1;
	s7 =	sadd.s32 s22, s5  }
0x9f: {  	[timem:s9], [sflag:s23] =	dma.local [hbm:s7], s21  }
0xa0: {  	_ =	swait.ge [sflag:s23], s21  }
0xa1: {  	s6 =	ssub.s32 $0x0, s21;
	[sflag:s23] =	ssyncset.done $0x0  }
0xa2: {  	[sflag:s23] =	ssyncadd.s32 s6;
	_ =	sdelay $0x1  }
0xa3: {  	s24 =	simm.s32 $0x1B8B  }
0xa4: {  	_ =	swait.ge [sflag:s24], $0x1  }
0xa5: {  	[sflag:s24] =	ssyncset.done $0x0  }
0xa6: {  	s25 =	simm.s32 $0x1B8E;
	[sflag:s24] =	ssyncadd.s32 $0xFFFFFFFF  }
0xa7: {  	s26 =	simm.s32 $execute0_lowered;
	[smem:$0x3FD2] =	sst s25  }
0xa8: {  	s6 =	sshll.u32 s26, $0x1;
	_ =	strace $0x80000046;
	[dreg:$0x1] =	wrdreg $0xFFFFFFFF  }
0xa9: {  	s28 =	simm.s32 $_size_execute0_lowered;
	s5 =	sadd.s32 s5, s6;
	[dreg:$0x0] =	wrdreg $0x0  }
0xaa: {  	s6 =	sshll.u32 s28, $0x1;
	[dreg:$0x2] =	wrdreg s5  }
0xab: {  	[dreg:$0x3] =	wrdreg s6  }
0xac: {  	[dreg:$0x4] =	wrdreg $0xC0  }
0xad: {  	_ =	task [dreg:s9], $0x5FFFF  }
0xae: {  	[dreg:$0x1] =	wrdreg $0xFFFFFFFF  }
0xaf: {  	[dreg:$0x0] =	wrdreg $0x60  }
0xb0: {  	[dreg:$0x2] =	wrdreg s2  }
0xb1: {  	[dreg:$0x3] =	wrdreg s19  }
0xb2: {  	[dreg:$0x4] =	wrdreg s4  }
0xb3: {  	[dreg:$0x5] =	wrdreg $0x9  }
0xb4: {  	_ =	task.clear_ibuf [dreg:s9], $0x6FFFF;
	_ =	strace $0x90000046  }
0xb5: {  	s29 =	simm.s32 $0x9;
	_ =	strace $0x80000048  }
0xb6: {  	_ =	swait.ge [sflag:s29], $0x1  }
0xb7: {  	[sflag:s29] =	ssyncadd.s32 $0xFFFFFFFF  }
0xb8: {  	_ =	strace $0x90000048  }
0xb9: {  	_ =	sfence  }
0xba: {  	s30 =	sld [smem:$0x0];
	_ =	sdelay $0x2  }
0xbb: {  	s31 =	sshll.u32 s1, $0xD;
	s1 =	sshrl.u32 s1, $0x2  }
0xbc: {  	s3 =	sand.u32 $0x4000, s31;
	s1 =	sadd.s32 s1, s30  }
0xbd: {  	s0 =	sor.u32 s3, s0;
	s1 =	sshll.u32 s1, $0x11  }
0xbe: {  	s0 =	sor.u32 s1, s0  }
0xbf: {  	s0 =	sadd.s32 $0x8F2B, s0  }
0xc0: {  	[sflag:s0] =	ssyncadd.remote.s32 $0x1  }
0xc1: {  	_ =	sfence.sel $0xFFFF  }
0xc2: {  	[dreg:$0x0] =	wrdreg $0xFFFFFFFF;
	(pc) =	sbr.abs _section_cstart, $3  }
0xc3: {  	[dreg:$0x1] =	wrdreg $0xFFFFFFFF  }
0xc4: {  	_ =	task.clear_ibuf [dreg:s9], $0x2FFFF;
	_ =	strace $0x9FFFFFFF  }
0xc5: {  	(tm) =	ssettm $0x7FFFFFFF  }
tec
execute0_lowered:
.L_overlay_start_1:
0x0: {  	(tag) =	ssettag $0x1  }
0x1: {  	s0 =	rddreg [dreg:$0x0];
	v0 =	vlaneseq.u32  }
0x2: {  	s1 =	rddreg [dreg:$0x1];
	s6 =	simm.s32 $0x0;
	v0 =	vmul.u32 $0x1000, v0  }
0x3: {  	[smem:$0x7FF] =	sst s6  }
0x4: {  	s2 =	rddreg [dreg:$0x2];
	_ =	strace $0x80000047;
	v1 =	vor.u32 $0x80, v0;
	[tilespmem:$0x1FFE0] =	vst v0  }
0x5: {  	v35 =	vor.u32 $0x100, v0;
	[tilespmem:$0x1FE00] =	vst v1  }
0x6: {  	v36 =	vor.u32 $0x180, v0;
	[tilespmem:$0x1FE10] =	vst v35  }
0x7: {  	v37 =	vor.u32 $0x200, v0;
	[tilespmem:$0x1FE20] =	vst v36  }
0x8: {  	v38 =	vor.u32 $0x280, v0;
	[tilespmem:$0x1FE30] =	vst v37  }
0x9: {  	v39 =	vor.u32 $0x300, v0;
	[tilespmem:$0x1FE40] =	vst v38  }
0xa: {  	v40 =	vor.u32 $0x380, v0;
	[tilespmem:$0x1FE50] =	vst v39  }
0xb: {  	v41 =	vor.u32 $0x400, v0;
	[tilespmem:$0x1FE60] =	vst v40  }
0xc: {  	v42 =	vor.u32 $0x480, v0;
	[tilespmem:$0x1FE70] =	vst v41  }
0xd: {  	v43 =	vor.u32 $0x500, v0;
	[tilespmem:$0x1FE80] =	vst v42  }
0xe: {  	v44 =	vor.u32 $0x580, v0;
	[tilespmem:$0x1FE90] =	vst v43  }
0xf: {  	v45 =	vor.u32 $0x600, v0;
	[tilespmem:$0x1FEA0] =	vst v44  }
0x10: {  	v46 =	vor.u32 $0x680, v0;
	[tilespmem:$0x1FEB0] =	vst v45  }
0x11: {  	v47 =	vor.u32 $0x700, v0;
	[tilespmem:$0x1FEC0] =	vst v46  }
0x12: {  	v48 =	vor.u32 $0x780, v0;
	[tilespmem:$0x1FED0] =	vst v47  }
0x13: {  	v49 =	vor.u32 $0x800, v0;
	[tilespmem:$0x1FEE0] =	vst v48  }
0x14: {  	v50 =	vor.u32 $0x880, v0;
	[tilespmem:$0x1FEF0] =	vst v49  }
0x15: {  	s3 =	srdreg.scid;
	s5 =	stileid.u32;
	s18 =	simm.s32 $0x11;
	v51 =	vor.u32 $0x900, v0;
	[tilespmem:$0x1FF00] =	vst v50  }
0x16: {  	s8 =	simm.s32 $0x400;
	s9 =	simm.s32 $0x7A1400;
	s10 =	simm.s32 $0x4200;
	v52 =	vor.u32 $0x980, v0;
	[tilespmem:$0x1FF10] =	vst v51  }
0x17: {  	s19 =	simm.s32 $0xC200;
	s21 =	simm.s32 $0xF200;
	s22 =	simm.s32 $0x10200;
	v53 =	vor.u32 $0xA00, v0;
	[tilespmem:$0x1FF20] =	vst v52  }
0x18: {  	s23 =	simm.s32 $0x11200;
	s28 =	simm.s32 $0x2;
	s29 =	simm.s32 $0x3;
	v54 =	vor.u32 $0xA80, v0;
	[tilespmem:$0x1FF30] =	vst v53  }
0x19: {  	s30 =	simm.s32 $0x4;
	s31 =	simm.s32 $0x5;
	s7 =	simm.s32 $0xA;
	v55 =	vor.u32 $0xB00, v0;
	[tilespmem:$0x1FF40] =	vst v54  }
0x1a: {  	s11 =	simm.s32 $0xC;
	s12 =	simm.s32 $0xD;
	s13 =	simm.s32 $0xE;
	v56 =	vor.u32 $0xB80, v0;
	[tilespmem:$0x1FF50] =	vst v55  }
0x1b: {  	s14 =	simm.s32 $0xF;
	s15 =	simm.s32 $0x10;
	s3 =	sand.u32 $0x1, s3;
	v57 =	vor.u32 $0xC00, v0;
	[tilespmem:$0x1FF60] =	vst v56  }
0x1c: {  	s5 =	sshll.u32 s5, $0xA;
	s4 =	ssub.s32 $0x2, s3;
	s3 =	sshll.u32 s3, $0x9;
	v58 =	vor.u32 $0xC80, v0;
	[tilespmem:$0x1FF70] =	vst v57  }
0x1d: {  	vm0 =	vmmov $0x1;
	vm3 =	vcmask $0xB10;
	s17 =	simm.s32 $0x0;
	s24 =	sshrl.u32 s4, $0x1;
	s3 =	sor.u32 s3, s5;
	v59 =	vor.u32 $0xD00, v0;
	[tilespmem:$0x1FF80] =	vst v58  }
0x1e: {  	vm4 =	vcmask $0xF14;
	vm5 =	vcmask $0x1318;
	s6 =	simm.s32 $0xB;
	v60 =	vor.u32 $0xD80, v0;
	s4 =	ssub.s32 s4, s24;
	s5 =	sshrl.u32 s3, $0x3;
	[tilespmem:$0x1FF90] =	vst v59  }
.Ltmp0:
0x1f: {  	vm6 =	vcmask $0x171C;
	vm7 =	vcmask $0x1B20;
	v61 =	vor.u32 $0xE00, v0;
	s25 =	sadd.s32 s2, s3;
	s24 =	simm.s32 $0x12200;
	[tilespmem:$0x1FFA0] =	vst v60;
	(pc) =	sbr.rel .LBB2_1-.Ltmp0, $4  }
0x20: {  	vm8 =	vcmask $0x1F24;
	vm9 =	vcmask $0x2328;
	v62 =	vor.u32 $0xE80, v0;
	s2 =	simm.s32 $0x7;
	s3 =	simm.s32 $0x8;
	[tilespmem:$0x1FFB0] =	vst v61;
	s0 =	sadd.s32 s0, s5  }
0x21: {  	vm10 =	vcmask $0x272C;
	vm11 =	vcmask $0x2B30;
	v63 =	vor.u32 $0xF00, v0;
	[tilespmem:$0x1FFC0] =	vst v62;
	[dreg:$0x5] =	wrdreg s25;
	s26 =	smax.u32 s4, $0x1;
	s25 =	simm.s32 $0x13200  }
0x22: {  	vm12 =	vcmask $0x2F34;
	vm13 =	vcmask $0x3338;
	v0 =	vor.u32 $0xF80, v0;
	[tilespmem:$0x1FFD0] =	vst v63;
	s4 =	simm.s32 $0x200;
	s5 =	simm.s32 $0x9;
	[dreg:$0x4] =	wrdreg s0  }
0x23: {  	vm14 =	vcmask $0x373C;
	vm15 =	vmmov $0x7fff;
	vm1 =	vcmask $0x3F20;
	[tilespmem:$0x1FFF0] =	vst v0;
	[dreg:$0x6] =	wrdreg s26;
	s26 =	simm.s32 $0x1;
	s0 =	simm.s32 $0x6  }
.LBB2_5:
0x24: {  	s16 =	rddreg [dreg:$0x5];
	s17 =	simm.s32 $0x1000;
	s18 =	simm.s32 $0x20000  }
0x25: {  	[hbm4b:s16+s17] =	stream.strided.scatter [tilespmem:s4], [sflag:$0x11], $0x4000, s18, s17, $0x38;
	[tilespmem:$0x14200] =	vst v63  }
0x26: {  	s18 =	simm.s32 $0x11  }
0x27: {  	_ =	swait.ge [sflag:s18], $0x4000  }
0x28: {  	s16 =	rddreg [dreg:$0x7]  }
0x29: {  	s20 =	rddreg [dreg:$0x6];
	s17 =	sadd.s32 $0x1, s16  }
0x2a: {  	p0 =	sne.s32 s17, s20  }
.Ltmp1:
0x2b: {  	_ = 	snop;
	(pc) =	sbr.rel @!p0 .LBB2_6-.Ltmp1, $3  }
0x2c: {  	_ =	sdelay $0x1  }
0x2d: {  	[sflag:s18] =	ssyncset.done $0x0  }
0x2e: {  	[sflag:s18] =	ssyncadd.s32 $0xFFFFC000  }
.LBB2_1:
0x2f: {  	[dreg:$0x7] =	wrdreg s17  }
0x30: {  	s16 =	simm.s32 $0x0;
	s20 =	rddreg [dreg:$0x4]  }
0x31: {  	[tilespmem:s16], [sflag:$0x11] =	stream.linear.gather [hbm4b:s20+s16], $0x200, $0x38;
	[tilespmem:$0x14200] =	vst v63  }
0x32: {  	_ =	swait.ge [sflag:s18], $0x200  }
0x33: {  	[sflag:s18] =	ssyncset.done $0x0  }
0x34: {  	[sflag:s18] =	ssyncadd.s32 $0xFFFFFE00  }
0x35: {  	v0 =	vld [tilespmem:$0x0];
	_ =	sdelay $0x4  }
0x36: {  	v0 =	vshra.s32 v0, $0x7  }
0x37: {  	v1 =	vnsel vm0, $0x0, v0  }
0x38: {  	v1 =	vxor.u32 $0x80000000, v1  }
0x39: {  	(xrf0) =	vmax.scan.msk.u32 $0xffff, v1;
	_ =	sdelay $0x2  }
0x3a: {  	vm2 =	vcmask $0x308  }
0x3b: {  	v50 =	vsel vm2, $0x0, v0  }
0x3c: {  	v1 =	vxor.u32 $0x80000000, v50  }
0x3d: {  	vm2 =	vcmask $0x70C;
	v2, _, _ =	vpop (xrf0);
	(xrf0) =	vmax.scan.msk.u32 $0xffff, v1  }
0x3e: {  	v51 =	vsel vm2, $0x0, v0;
	(v2sf) =	vpush v2, $0xF  }
0x3f: {  	v1 =	vxor.u32 $0x80000000, v51  }
0x40: {  	(xrf0) =	vmax.scan.msk.u32 $0xffff, v1;
	_ =	sdelay $0x2  }
0x41: {  	v52, _, _ =	vpop (xrf0)  }
0x42: {  	v53 =	vsel vm3, $0x0, v0;
	(v2sf) =	vpush v52, $0xF  }
0x43: {  	v1 =	vxor.u32 $0x80000000, v53  }
0x44: {  	v55 =	vsel vm4, $0x0, v0;
	(xrf0) =	vmax.scan.msk.u32 $0xffff, v1;
	v54, _, _ =	vpop (xrf0)  }
0x45: {  	v56 =	vxor.u32 $0x80000000, v55;
	(v2sf) =	vpush v54, $0xF  }
0x46: {  	(xrf0) =	vmax.scan.msk.u32 $0xffff, v56;
	_ =	sdelay $0x1  }
0x47: {  	v57 =	vsel vm5, $0x0, v0  }
0x48: {  	v1 =	vxor.u32 $0x80000000, v57  }
0x49: {  	v58, _, _ =	vpop (xrf0);
	(xrf0) =	vmax.scan.msk.u32 $0xffff, v1  }
0x4a: {  	v60 =	vsel vm6, $0x0, v0;
	s17 =	spop (v2sf);
	(v2sf) =	vpush v58, $0xF  }
0x4b: {  	v61 =	vxor.u32 $0x80000000, v60;
	v59, _, _ =	vpop (xrf0)  }
0x4c: {  	(xrf0) =	vmax.scan.msk.u32 $0xffff, v61;
	s16 =	sshll.u32 s17, $0x7;
	(v2sf) =	vpush v59, $0xF  }
0x4d: {  	s16 =	sand.u32 $0x1FFFFF80, s16  }
0x4e: {  	s16 =	sadd.s32 s1, s16  }
0x4f: {  	v62, _, _ =	vpop (xrf0);
	[tilespmem:s10], [sflag:$0x1] =	stream.strided.gather [hbm4b:s16+s8], $0x1000, s9, s8, $0x38;
	[tilespmem:$0x14200] =	vst v63  }
0x50: {  	v0 =	vsel vm7, $0x0, v0;
	s18 =	spop (v2sf);
	(v2sf) =	vpush v62, $0xF  }
0x51: {  	v0 =	vxor.u32 $0x80000000, v0;
	s16 =	sshll.u32 s18, $0x7  }
0x52: {  	(xrf0) =	vmax.scan.msk.u32 $0xffff, v0;
	v63, _, _ =	vpop (xrf0);
	s16 =	sand.u32 $0x1FFFFF80, s16  }
0x53: {  	s20 =	simm.s32 $0x5200;
	s18 =	spop (v2sf);
	(v2sf) =	vpush v63, $0xF;
	s16 =	sadd.s32 s1, s16  }
0x54: {  	[tilespmem:s20], [sflag:$0x2] =	stream.strided.gather [hbm4b:s16+s8], $0x1000, s9, s8, $0x38;
	[tilespmem:$0x14200] =	vst v63  }
0x55: {  	s16 =	sshll.u32 s18, $0x7  }
0x56: {  	s16 =	sand.u32 $0x1FFFFF80, s16  }
0x57: {  	s20 =	simm.s32 $0x6200;
	s16 =	sadd.s32 s1, s16  }
0x58: {  	v0, _, _ =	vpop (xrf0);
	[tilespmem:s20], [sflag:$0x3] =	stream.strided.gather [hbm4b:s16+s8], $0x1000, s9, s8, $0x38;
	[tilespmem:$0x14200] =	vst v63  }
0x59: {  	s18 =	spop (v2sf);
	(v2sf) =	vpush v0, $0xF  }
0x5a: {  	s16 =	sshll.u32 s18, $0x7  }
0x5b: {  	s17 =	spop (v2sf);
	s16 =	sand.u32 $0x1FFFFF80, s16  }
0x5c: {  	s20 =	simm.s32 $0x7200;
	s18 =	sshll.u32 s17, $0x7;
	s16 =	sadd.s32 s1, s16  }
0x5d: {  	[tilespmem:s20], [sflag:$0x4] =	stream.strided.gather [hbm4b:s16+s8], $0x1000, s9, s8, $0x38;
	[tilespmem:$0x14200] =	vst v63  }
0x5e: {  	s16 =	sand.u32 $0x1FFFFF80, s18  }
0x5f: {  	s20 =	simm.s32 $0x8200;
	s16 =	sadd.s32 s1, s16;
	s17 =	spop (v2sf)  }
0x60: {  	[tilespmem:s20], [sflag:$0x5] =	stream.strided.gather [hbm4b:s16+s8], $0x1000, s9, s8, $0x38;
	[tilespmem:$0x14200] =	vst v63  }
0x61: {  	s18 =	sshll.u32 s17, $0x7  }
0x62: {  	s17 =	spop (v2sf);
	s16 =	sand.u32 $0x1FFFFF80, s18  }
0x63: {  	s20 =	simm.s32 $0x9200;
	s18 =	sshll.u32 s17, $0x7;
	s16 =	sadd.s32 s1, s16  }
0x64: {  	[tilespmem:s20], [sflag:$0x6] =	stream.strided.gather [hbm4b:s16+s8], $0x1000, s9, s8, $0x38;
	[tilespmem:$0x14200] =	vst v63  }
0x65: {  	s16 =	sand.u32 $0x1FFFFF80, s18  }
0x66: {  	s20 =	simm.s32 $0xA200;
	s16 =	sadd.s32 s1, s16  }
0x67: {  	[tilespmem:s20], [sflag:$0x7] =	stream.strided.gather [hbm4b:s16+s8], $0x1000, s9, s8, $0x38;
	[tilespmem:$0x14200] =	vst v63  }
0x68: {  	s18 =	spop (v2sf)  }
.Ltmp2:
0x69: {  	s16 =	sshll.u32 s18, $0x7;
	(pc) =	sbr.rel .LBB2_2-.Ltmp2, $4  }
0x6a: {  	s16 =	sand.u32 $0x1FFFFF80, s16  }
0x6b: {  	s20 =	simm.s32 $0xB200;
	s16 =	sadd.s32 s1, s16  }
0x6c: {  	[tilespmem:s20], [sflag:$0x8] =	stream.strided.gather [hbm4b:s16+s8], $0x1000, s9, s8, $0x38;
	[tilespmem:$0x14200] =	vst v63  }
0x6d: {  	s17 =	simm.s32 $0x0;
	s16 =	simm.s32 $0x10  }
.LBB2_4:
0x6e: {  	_ =	swait.ge [sflag:s5], $0x1000  }
0x6f: {  	[sflag:s5] =	ssyncset.done $0x0  }
0x70: {  	[sflag:s5] =	ssyncadd.s32 $0xFFFFF000  }
0x71: {  	_ =	swait.ge [sflag:s7], $0x1000  }
0x72: {  	[sflag:s7] =	ssyncset.done $0x0  }
0x73: {  	[sflag:s7] =	ssyncadd.s32 $0xFFFFF000  }
0x74: {  	_ =	swait.ge [sflag:s6], $0x1000  }
0x75: {  	[sflag:s6] =	ssyncset.done $0x0  }
0x76: {  	[sflag:s6] =	ssyncadd.s32 $0xFFFFF000  }
0x77: {  	_ =	swait.ge [sflag:s11], $0x1000  }
0x78: {  	[sflag:s11] =	ssyncset.done $0x0  }
0x79: {  	[sflag:s11] =	ssyncadd.s32 $0xFFFFF000  }
0x7a: {  	_ =	swait.ge [sflag:s12], $0x1000  }
0x7b: {  	[sflag:s12] =	ssyncset.done $0x0  }
0x7c: {  	[sflag:s12] =	ssyncadd.s32 $0xFFFFF000  }
0x7d: {  	_ =	swait.ge [sflag:s13], $0x1000  }
0x7e: {  	[sflag:s13] =	ssyncset.done $0x0  }
0x7f: {  	[sflag:s13] =	ssyncadd.s32 $0xFFFFF000  }
0x80: {  	_ =	swait.ge [sflag:s14], $0x1000  }
0x81: {  	[sflag:s14] =	ssyncset.done $0x0  }
0x82: {  	[sflag:s14] =	ssyncadd.s32 $0xFFFFF000  }
0x83: {  	_ =	swait.ge [sflag:s15], $0x1000  }
0x84: {  	v33 =	vld [tilespmem:$0x1FDE0];
	_ =	sdelay $0x5  }
0x85: {  	[sflag:s15] =	ssyncset.done $0x0  }
0x86: {  	[sflag:s15] =	ssyncadd.s32 $0xFFFFF000  }
0x87: {  	v33 =	vld.idx.msk [tilespmem:v33+s10+$0x0], $0xffff;
	_ =	sdelay $0x4  }
0x88: {  	[tilespmem:v34+s4+$0x0] =	vst.idx.msk vm1, v33;
	v33 =	vld [tilespmem:$0x1FDF0];
	_ =	sdelay $0x7  }
0x89: {  	v33 =	vld.idx.msk [tilespmem:v33+s10+$0x0], $0xffff;
	_ =	sdelay $0x4  }
0x8a: {  	[tilespmem:v36+s4+$0x0] =	vst.idx.msk vm1, v33  }
0x8b: {  	v33 =	vld.idx.msk [tilespmem:v37+s10+$0x0], $0xffff;
	_ =	sdelay $0x4  }
0x8c: {  	[tilespmem:v38+s4+$0x0] =	vst.idx.msk vm1, v33  }
0x8d: {  	v33 =	vld.idx.msk [tilespmem:v39+s10+$0x0], $0xffff;
	_ =	sdelay $0x4  }
0x8e: {  	[tilespmem:v40+s4+$0x0] =	vst.idx.msk vm1, v33  }
0x8f: {  	v33 =	vld.idx.msk [tilespmem:v41+s10+$0x0], $0xffff;
	_ =	sdelay $0x4  }
0x90: {  	[tilespmem:v42+s4+$0x0] =	vst.idx.msk vm1, v33  }
0x91: {  	v33 =	vld.idx.msk [tilespmem:v43+s10+$0x0], $0xffff;
	_ =	sdelay $0x4  }
0x92: {  	[tilespmem:v44+s4+$0x0] =	vst.idx.msk vm1, v33  }
0x93: {  	v33 =	vld.idx.msk [tilespmem:v45+s10+$0x0], $0xffff;
	_ =	sdelay $0x4  }
0x94: {  	[tilespmem:v46+s4+$0x0] =	vst.idx.msk vm1, v33  }
0x95: {  	v33 =	vld.idx.msk [tilespmem:v47+s10+$0x0], $0xffff;
	_ =	sdelay $0x4  }
0x96: {  	[tilespmem:v48+s4+$0x0] =	vst.idx.msk vm1, v33  }
0x97: {  	v33 =	vld.idx.msk [tilespmem:v49+s10+$0x0], $0xffff;
	_ =	sdelay $0x4  }
0x98: {  	[tilespmem:v50+s4+$0x0] =	vst.idx.msk vm1, v33  }
0x99: {  	v33 =	vld.idx.msk [tilespmem:v51+s10+$0x0], $0xffff;
	_ =	sdelay $0x4  }
0x9a: {  	[tilespmem:v52+s4+$0x0] =	vst.idx.msk vm1, v33  }
0x9b: {  	v33 =	vld.idx.msk [tilespmem:v53+s10+$0x0], $0xffff;
	_ =	sdelay $0x4  }
0x9c: {  	[tilespmem:v54+s4+$0x0] =	vst.idx.msk vm1, v33  }
0x9d: {  	v33 =	vld.idx.msk [tilespmem:v55+s10+$0x0], $0xffff;
	_ =	sdelay $0x4  }
0x9e: {  	[tilespmem:v56+s4+$0x0] =	vst.idx.msk vm1, v33  }
0x9f: {  	v33 =	vld.idx.msk [tilespmem:v57+s10+$0x0], $0xffff;
	_ =	sdelay $0x4  }
0xa0: {  	[tilespmem:v58+s4+$0x0] =	vst.idx.msk vm1, v33  }
0xa1: {  	v33 =	vld.idx.msk [tilespmem:v59+s10+$0x0], $0xffff;
	_ =	sdelay $0x4  }
0xa2: {  	[tilespmem:v60+s4+$0x0] =	vst.idx.msk vm1, v33  }
0xa3: {  	v33 =	vld.idx.msk [tilespmem:v61+s10+$0x0], $0xffff;
	_ =	sdelay $0x4  }
0xa4: {  	[tilespmem:v62+s4+$0x0] =	vst.idx.msk vm1, v33  }
0xa5: {  	v33 =	vld.idx.msk [tilespmem:v63+s10+$0x0], $0xffff;
	_ =	sdelay $0x4  }
0xa6: {  	[tilespmem:v0+s4+$0x0] =	vst.idx.msk vm1, v33  }
0xa7: {  	v0 =	vld.idx.msk [tilespmem:v2+s10+$0x0], $0xffff;
	_ =	sdelay $0x4  }
0xa8: {  	[tilespmem:v3+s4+$0x0] =	vst.idx.msk vm1, v0  }
0xa9: {  	v0 =	vld.idx.msk [tilespmem:v4+s10+$0x0], $0xffff;
	_ =	sdelay $0x4  }
0xaa: {  	[tilespmem:v5+s4+$0x0] =	vst.idx.msk vm1, v0  }
0xab: {  	v0 =	vld.idx.msk [tilespmem:v6+s10+$0x0], $0xffff;
	_ =	sdelay $0x4  }
0xac: {  	[tilespmem:v1+s4+$0x0] =	vst.idx.msk vm1, v0  }
0xad: {  	v0 =	vld.idx.msk [tilespmem:v7+s10+$0x0], $0xffff;
	_ =	sdelay $0x4  }
0xae: {  	[tilespmem:v8+s4+$0x0] =	vst.idx.msk vm1, v0  }
0xaf: {  	v0 =	vld.idx.msk [tilespmem:v9+s10+$0x0], $0xffff;
	_ =	sdelay $0x4  }
0xb0: {  	[tilespmem:v10+s4+$0x0] =	vst.idx.msk vm1, v0  }
0xb1: {  	v0 =	vld.idx.msk [tilespmem:v11+s10+$0x0], $0xffff;
	_ =	sdelay $0x4  }
0xb2: {  	[tilespmem:v12+s4+$0x0] =	vst.idx.msk vm1, v0  }
0xb3: {  	v0 =	vld.idx.msk [tilespmem:v13+s10+$0x0], $0xffff;
	_ =	sdelay $0x4  }
0xb4: {  	[tilespmem:v14+s4+$0x0] =	vst.idx.msk vm1, v0  }
0xb5: {  	v0 =	vld.idx.msk [tilespmem:v15+s10+$0x0], $0xffff;
	_ =	sdelay $0x4  }
0xb6: {  	[tilespmem:v16+s4+$0x0] =	vst.idx.msk vm1, v0  }
0xb7: {  	v0 =	vld.idx.msk [tilespmem:v17+s10+$0x0], $0xffff;
	_ =	sdelay $0x4  }
0xb8: {  	[tilespmem:v18+s4+$0x0] =	vst.idx.msk vm1, v0  }
0xb9: {  	v0 =	vld.idx.msk [tilespmem:v19+s10+$0x0], $0xffff;
	_ =	sdelay $0x4  }
0xba: {  	[tilespmem:v20+s4+$0x0] =	vst.idx.msk vm1, v0  }
0xbb: {  	v0 =	vld.idx.msk [tilespmem:v21+s10+$0x0], $0xffff;
	_ =	sdelay $0x4  }
0xbc: {  	[tilespmem:v22+s4+$0x0] =	vst.idx.msk vm1, v0  }
0xbd: {  	v0 =	vld.idx.msk [tilespmem:v23+s10+$0x0], $0xffff;
	_ =	sdelay $0x4  }
0xbe: {  	[tilespmem:v24+s4+$0x0] =	vst.idx.msk vm1, v0  }
0xbf: {  	v0 =	vld.idx.msk [tilespmem:v25+s10+$0x0], $0xffff;
	_ =	sdelay $0x4  }
0xc0: {  	[tilespmem:v26+s4+$0x0] =	vst.idx.msk vm1, v0  }
0xc1: {  	v0 =	vld.idx.msk [tilespmem:v27+s10+$0x0], $0xffff;
	_ =	sdelay $0x4  }
0xc2: {  	[tilespmem:v28+s4+$0x0] =	vst.idx.msk vm1, v0  }
0xc3: {  	v0 =	vld.idx.msk [tilespmem:v29+s10+$0x0], $0xffff;
	_ =	sdelay $0x4  }
0xc4: {  	s17 =	sadd.s32 $0x10, s17;
	[tilespmem:v31+s4+$0x0] =	vst.idx.msk vm1, v0  }
0xc5: {  	p0 =	sne.s32 s17, $0x200;
	v0 =	vld.idx.msk [tilespmem:v32+s10+$0x0], $0xffff  }
.Ltmp3:
0xc6: {  	_ = 	snop;
	(pc) =	sbr.rel @!p0 .LBB2_5-.Ltmp3, $2  }
0xc7: {  	_ =	sdelay $0x2  }
0xc8: {  	s16 =	sadd.s32 $0x10, s16;
	[tilespmem:v30+s4+$0x0] =	vst.idx.msk vm1, v0  }
.LBB2_2:
0xc9: {  	v0 =	vld [tilespmem:s16+$0xFFFFFFF0];
	_ =	sdelay $0x4  }
0xca: {  	v1 =	vshra.s32 v0, $0x7  }
0xcb: {  	v2 =	vsel vm8, $0x0, v1  }
0xcc: {  	v2 =	vxor.u32 $0x80000000, v2  }
0xcd: {  	(xrf0) =	vmax.scan.msk.u32 $0xffff, v2;
	_ =	sdelay $0x1  }
0xce: {  	v2 =	vsel vm9, $0x0, v1  }
0xcf: {  	v2 =	vxor.u32 $0x80000000, v2;
	_ =	sdelay $0x1  }
0xd0: {  	(xrf0) =	vmax.scan.msk.u32 $0xffff, v2  }
0xd1: {  	v2, _, _ =	vpop (xrf0)  }
0xd2: {  	(v2sf) =	vpush v2, $0xF;
	v2 =	vsel vm10, $0x0, v1  }
0xd3: {  	v2 =	vxor.u32 $0x80000000, v2;
	_ =	sdelay $0x1  }
0xd4: {  	(xrf0) =	vmax.scan.msk.u32 $0xffff, v2  }
0xd5: {  	v2, _, _ =	vpop (xrf0)  }
0xd6: {  	(v2sf) =	vpush v2, $0xF;
	v2 =	vsel vm11, $0x0, v1  }
0xd7: {  	v2 =	vxor.u32 $0x80000000, v2;
	_ =	sdelay $0x1  }
0xd8: {  	(xrf0) =	vmax.scan.msk.u32 $0xffff, v2  }
0xd9: {  	v2, _, _ =	vpop (xrf0)  }
0xda: {  	(v2sf) =	vpush v2, $0xF;
	v2 =	vsel vm12, $0x0, v1  }
0xdb: {  	v2 =	vxor.u32 $0x80000000, v2;
	_ =	sdelay $0x1  }
0xdc: {  	(xrf0) =	vmax.scan.msk.u32 $0xffff, v2  }
0xdd: {  	v2, _, _ =	vpop (xrf0)  }
0xde: {  	s18 =	spop (v2sf);
	(v2sf) =	vpush v2, $0xF;
	v2 =	vsel vm13, $0x0, v1  }
0xdf: {  	s18 =	sshll.u32 s18, $0x7;
	v2 =	vxor.u32 $0x80000000, v2  }
0xe0: {  	s18 =	sand.u32 $0x1FFFFF80, s18  }
0xe1: {  	(xrf0) =	vmax.scan.msk.u32 $0xffff, v2;
	s18 =	sadd.s32 s1, s18  }
0xe2: {  	[tilespmem:s19], [sflag:$0x9] =	stream.strided.gather [hbm4b:s18+s8], $0x1000, s9, s8, $0x38;
	v2, _, _ =	vpop (xrf0);
	[tilespmem:$0x14200] =	vst v63  }
0xe3: {  	s20 =	spop (v2sf);
	(v2sf) =	vpush v2, $0xF;
	v2 =	vsel vm14, $0x0, v1  }
0xe4: {  	s18 =	sshll.u32 s20, $0x7;
	v2 =	vxor.u32 $0x80000000, v2  }
0xe5: {  	s18 =	sand.u32 $0x1FFFFF80, s18  }
0xe6: {  	s20 =	simm.s32 $0xD200;
	(xrf0) =	vmax.scan.msk.u32 $0xffff, v2;
	s18 =	sadd.s32 s1, s18  }
0xe7: {  	[tilespmem:s20], [sflag:$0xA] =	stream.strided.gather [hbm4b:s18+s8], $0x1000, s9, s8, $0x38;
	v2, _, _ =	vpop (xrf0);
	[tilespmem:$0x14200] =	vst v63  }
0xe8: {  	v1 =	vsel vm15, $0x0, v1;
	s20 =	spop (v2sf);
	(v2sf) =	vpush v2, $0xF  }
0xe9: {  	v1 =	vxor.u32 $0x80000000, v1;
	s18 =	sshll.u32 s20, $0x7  }
0xea: {  	s18 =	sand.u32 $0x1FFFFF80, s18  }
0xeb: {  	(xrf0) =	vmax.scan.msk.u32 $0xffff, v1;
	s20 =	simm.s32 $0xE200;
	s18 =	sadd.s32 s1, s18  }
0xec: {  	v1, _, _ =	vpop (xrf0);
	[tilespmem:s20], [sflag:$0xB] =	stream.strided.gather [hbm4b:s18+s8], $0x1000, s9, s8, $0x38;
	[tilespmem:$0x14200] =	vst v63  }
0xed: {  	s20 =	spop (v2sf);
	(v2sf) =	vpush v1, $0xF  }
0xee: {  	s18 =	sshll.u32 s20, $0x7  }
0xef: {  	s18 =	sand.u32 $0x1FFFFF80, s18  }
0xf0: {  	s18 =	sadd.s32 s1, s18  }
0xf1: {  	v1, _, _ =	vpop (xrf0);
	[tilespmem:s21], [sflag:$0xC] =	stream.strided.gather [hbm4b:s18+s8], $0x1000, s9, s8, $0x38;
	[tilespmem:$0x14200] =	vst v63  }
0xf2: {  	s20 =	spop (v2sf);
	(v2sf) =	vpush v1, $0xF  }
0xf3: {  	s18 =	sshll.u32 s20, $0x7  }
0xf4: {  	s18 =	sand.u32 $0x1FFFFF80, s18  }
0xf5: {  	s18 =	sadd.s32 s1, s18  }
0xf6: {  	[tilespmem:s22], [sflag:$0xD] =	stream.strided.gather [hbm4b:s18+s8], $0x1000, s9, s8, $0x38;
	[tilespmem:$0x14200] =	vst v63  }
0xf7: {  	s20 =	spop (v2sf)  }
0xf8: {  	s18 =	sshll.u32 s20, $0x7  }
0xf9: {  	s18 =	sand.u32 $0x1FFFFF80, s18  }
0xfa: {  	s18 =	sadd.s32 s1, s18  }
0xfb: {  	[tilespmem:s23], [sflag:$0xE] =	stream.strided.gather [hbm4b:s18+s8], $0x1000, s9, s8, $0x38;
	[tilespmem:$0x14200] =	vst v63  }
0xfc: {  	s20 =	spop (v2sf)  }
0xfd: {  	s18 =	sshll.u32 s20, $0x7  }
0xfe: {  	s18 =	sand.u32 $0x1FFFFF80, s18  }
0xff: {  	s18 =	sadd.s32 s1, s18  }
0x100: {  	[tilespmem:s24], [sflag:$0xF] =	stream.strided.gather [hbm4b:s18+s8], $0x1000, s9, s8, $0x38;
	[tilespmem:$0x14200] =	vst v63  }
0x101: {  	s20 =	spop (v2sf)  }
0x102: {  	s18 =	sshll.u32 s20, $0x7  }
0x103: {  	s18 =	sand.u32 $0x1FFFFF80, s18  }
0x104: {  	s18 =	sadd.s32 s1, s18  }
0x105: {  	[tilespmem:s25], [sflag:$0x10] =	stream.strided.gather [hbm4b:s18+s8], $0x1000, s9, s8, $0x38;
	[tilespmem:$0x14200] =	vst v63  }
0x106: {  	_ =	swait.ge [sflag:s26], $0x1000  }
0x107: {  	[sflag:s26] =	ssyncset.done $0x0  }
0x108: {  	[sflag:s26] =	ssyncadd.s32 $0xFFFFF000  }
0x109: {  	_ =	swait.ge [sflag:s28], $0x1000  }
0x10a: {  	[sflag:s28] =	ssyncset.done $0x0  }
0x10b: {  	[sflag:s28] =	ssyncadd.s32 $0xFFFFF000  }
0x10c: {  	_ =	swait.ge [sflag:s29], $0x1000  }
0x10d: {  	[sflag:s29] =	ssyncset.done $0x0  }
0x10e: {  	[sflag:s29] =	ssyncadd.s32 $0xFFFFF000  }
0x10f: {  	_ =	swait.ge [sflag:s30], $0x1000  }
0x110: {  	[sflag:s30] =	ssyncset.done $0x0  }
0x111: {  	[sflag:s30] =	ssyncadd.s32 $0xFFFFF000  }
0x112: {  	_ =	swait.ge [sflag:s31], $0x1000  }
0x113: {  	[sflag:s31] =	ssyncset.done $0x0  }
0x114: {  	[sflag:s31] =	ssyncadd.s32 $0xFFFFF000  }
0x115: {  	_ =	swait.ge [sflag:s0], $0x1000  }
0x116: {  	[sflag:s0] =	ssyncset.done $0x0  }
0x117: {  	[sflag:s0] =	ssyncadd.s32 $0xFFFFF000  }
0x118: {  	_ =	swait.ge [sflag:s2], $0x1000  }
0x119: {  	v30 =	vand.u32 $0x7F, v0;
	v0 =	vld [tilespmem:$0x1FFE0];
	_ =	sdelay $0x4  }
0x11a: {  	[sflag:s2] =	ssyncset.done $0x0;
	v3 =	vor.u32 v0, v30  }
0x11b: {  	v1 =	vlaneseq.u32;
	[sflag:s2] =	ssyncadd.s32 $0xFFFFF000;
	v0 =	vmov s17  }
0x11c: {  	v1 =	vor.u32 s17, v1;
	_ =	swait.ge [sflag:s3], $0x1000;
	v0 =	vshll.u32 v0, $0x3  }
0x11d: {  	v1 =	vand.u32 $0x7F, v1;
	[sflag:s3] =	ssyncset.done $0x0;
	v2 =	vand.u32 $0xC00, v0  }
0x11e: {  	[sflag:s3] =	ssyncadd.s32 $0xFFFFF000;
	v34 =	vor.u32 v1, v2;
	v2 =	vld [tilespmem:$0x1FE00]  }
0x11f: {  	[tilespmem:$0x1FDE0] =	vst v3;
	v3 =	vld.idx.msk [tilespmem:v3+s10+$0x0], $0xffff;
	_ =	sdelay $0x3  }
0x120: {  	v2 =	vor.u32 v2, v30  }
0x121: {  	[tilespmem:v34+s4+$0x0] =	vst.idx.msk $0xff, v3;
	v3 =	vld [tilespmem:$0x1FE10];
	_ =	sdelay $0x3  }
0x122: {  	v36 =	vor.u32 $0x80, v34;
	[tilespmem:$0x1FDF0] =	vst v2;
	v2 =	vld.idx.msk [tilespmem:v2+s10+$0x0], $0xffff  }
0x123: {  	v37 =	vor.u32 v3, v30  }
0x124: {  	v3 =	vld [tilespmem:$0x1FE20];
	_ =	sdelay $0x2  }
0x125: {  	[tilespmem:v36+s4+$0x0] =	vst.idx.msk $0xff, v2  }
0x126: {  	v38 =	vor.u32 $0x100, v34;
	v2 =	vld.idx.msk [tilespmem:v37+s10+$0x0], $0xffff  }
0x127: {  	v39 =	vor.u32 v3, v30  }
0x128: {  	v3 =	vld [tilespmem:$0x1FE30];
	_ =	sdelay $0x2  }
0x129: {  	[tilespmem:v38+s4+$0x0] =	vst.idx.msk $0xff, v2  }
0x12a: {  	v40 =	vor.u32 $0x180, v34;
	v2 =	vld.idx.msk [tilespmem:v39+s10+$0x0], $0xffff  }
0x12b: {  	v41 =	vor.u32 v3, v30  }
0x12c: {  	v3 =	vld [tilespmem:$0x1FE40];
	_ =	sdelay $0x2  }
0x12d: {  	[tilespmem:v40+s4+$0x0] =	vst.idx.msk $0xff, v2  }
0x12e: {  	v42 =	vor.u32 $0x200, v34;
	v2 =	vld.idx.msk [tilespmem:v41+s10+$0x0], $0xffff  }
0x12f: {  	v43 =	vor.u32 v3, v30  }
0x130: {  	v3 =	vld [tilespmem:$0x1FE50];
	_ =	sdelay $0x2  }
0x131: {  	[tilespmem:v42+s4+$0x0] =	vst.idx.msk $0xff, v2  }
0x132: {  	v44 =	vor.u32 $0x280, v34;
	v2 =	vld.idx.msk [tilespmem:v43+s10+$0x0], $0xffff  }
0x133: {  	v45 =	vor.u32 v3, v30  }
0x134: {  	v3 =	vld [tilespmem:$0x1FE60];
	_ =	sdelay $0x2  }
0x135: {  	[tilespmem:v44+s4+$0x0] =	vst.idx.msk $0xff, v2  }
0x136: {  	v46 =	vor.u32 $0x300, v34;
	v2 =	vld.idx.msk [tilespmem:v45+s10+$0x0], $0xffff  }
0x137: {  	v47 =	vor.u32 v3, v30  }
0x138: {  	v33 =	vor.u32 v0, v1;
	v1 =	vld [tilespmem:$0x1FE70];
	_ =	sdelay $0x2  }
0x139: {  	[tilespmem:v46+s4+$0x0] =	vst.idx.msk $0xff, v2  }
0x13a: {  	v48 =	vor.u32 $0x380, v33;
	v0 =	vld.idx.msk [tilespmem:v47+s10+$0x0], $0xffff  }
0x13b: {  	v49 =	vor.u32 v1, v30  }
0x13c: {  	v1 =	vld [tilespmem:$0x1FE80];
	_ =	sdelay $0x2  }
0x13d: {  	[tilespmem:v48+s4+$0x0] =	vst.idx.msk $0xff, v0  }
0x13e: {  	v50 =	vor.u32 $0x1000, v34;
	v0 =	vld.idx.msk [tilespmem:v49+s10+$0x0], $0xffff  }
0x13f: {  	v51 =	vor.u32 v1, v30  }
0x140: {  	v1 =	vld [tilespmem:$0x1FE90];
	_ =	sdelay $0x2  }
0x141: {  	[tilespmem:v50+s4+$0x0] =	vst.idx.msk $0xff, v0  }
0x142: {  	v52 =	vor.u32 $0x1080, v34;
	v0 =	vld.idx.msk [tilespmem:v51+s10+$0x0], $0xffff  }
0x143: {  	v53 =	vor.u32 v1, v30  }
0x144: {  	v1 =	vld [tilespmem:$0x1FEA0];
	_ =	sdelay $0x2  }
0x145: {  	[tilespmem:v52+s4+$0x0] =	vst.idx.msk $0xff, v0  }
0x146: {  	v54 =	vor.u32 $0x1100, v34;
	v0 =	vld.idx.msk [tilespmem:v53+s10+$0x0], $0xffff  }
0x147: {  	v55 =	vor.u32 v1, v30  }
0x148: {  	v1 =	vld [tilespmem:$0x1FEB0];
	_ =	sdelay $0x2  }
0x149: {  	[tilespmem:v54+s4+$0x0] =	vst.idx.msk $0xff, v0  }
0x14a: {  	v56 =	vor.u32 $0x1180, v34;
	v0 =	vld.idx.msk [tilespmem:v55+s10+$0x0], $0xffff  }
0x14b: {  	v57 =	vor.u32 v1, v30  }
0x14c: {  	v1 =	vld [tilespmem:$0x1FEC0];
	_ =	sdelay $0x2  }
0x14d: {  	[tilespmem:v56+s4+$0x0] =	vst.idx.msk $0xff, v0  }
0x14e: {  	v58 =	vor.u32 $0x1200, v34;
	v0 =	vld.idx.msk [tilespmem:v57+s10+$0x0], $0xffff  }
0x14f: {  	v59 =	vor.u32 v1, v30  }
0x150: {  	v1 =	vld [tilespmem:$0x1FED0];
	_ =	sdelay $0x2  }
0x151: {  	[tilespmem:v58+s4+$0x0] =	vst.idx.msk $0xff, v0  }
0x152: {  	v60 =	vor.u32 $0x1280, v34;
	v0 =	vld.idx.msk [tilespmem:v59+s10+$0x0], $0xffff  }
0x153: {  	v61 =	vor.u32 v1, v30  }
0x154: {  	v1 =	vld [tilespmem:$0x1FEE0];
	_ =	sdelay $0x2  }
0x155: {  	[tilespmem:v60+s4+$0x0] =	vst.idx.msk $0xff, v0  }
0x156: {  	v62 =	vor.u32 $0x1300, v34;
	v0 =	vld.idx.msk [tilespmem:v61+s10+$0x0], $0xffff  }
0x157: {  	v63 =	vor.u32 v1, v30  }
0x158: {  	v2 =	vld [tilespmem:$0x1FEF0];
	_ =	sdelay $0x2  }
0x159: {  	[tilespmem:v62+s4+$0x0] =	vst.idx.msk $0xff, v0  }
0x15a: {  	v0 =	vor.u32 $0x1380, v33;
	v1 =	vld.idx.msk [tilespmem:v63+s10+$0x0], $0xffff  }
0x15b: {  	v2 =	vor.u32 v2, v30  }
0x15c: {  	v4 =	vld [tilespmem:$0x1FF00];
	_ =	sdelay $0x2  }
0x15d: {  	[tilespmem:v0+s4+$0x0] =	vst.idx.msk $0xff, v1  }
0x15e: {  	v3 =	vor.u32 $0x2000, v34;
	v1 =	vld.idx.msk [tilespmem:v2+s10+$0x0], $0xffff  }
0x15f: {  	v4 =	vor.u32 v4, v30  }
0x160: {  	v6 =	vld [tilespmem:$0x1FF10];
	_ =	sdelay $0x2  }
0x161: {  	[tilespmem:v3+s4+$0x0] =	vst.idx.msk $0xff, v1  }
0x162: {  	v5 =	vor.u32 $0x2080, v34;
	v1 =	vld.idx.msk [tilespmem:v4+s10+$0x0], $0xffff  }
0x163: {  	v6 =	vor.u32 v6, v30  }
0x164: {  	v7 =	vld [tilespmem:$0x1FF20];
	_ =	sdelay $0x2  }
0x165: {  	[tilespmem:v5+s4+$0x0] =	vst.idx.msk $0xff, v1  }
0x166: {  	v1 =	vor.u32 $0x2100, v34;
	v8 =	vld.idx.msk [tilespmem:v6+s10+$0x0], $0xffff  }
0x167: {  	v7 =	vor.u32 v7, v30  }
0x168: {  	v9 =	vld [tilespmem:$0x1FF30];
	_ =	sdelay $0x2  }
0x169: {  	[tilespmem:v1+s4+$0x0] =	vst.idx.msk $0xff, v8  }
0x16a: {  	v8 =	vor.u32 $0x2180, v34;
	v10 =	vld.idx.msk [tilespmem:v7+s10+$0x0], $0xffff  }
0x16b: {  	v9 =	vor.u32 v9, v30  }
0x16c: {  	v11 =	vld [tilespmem:$0x1FF40];
	_ =	sdelay $0x2  }
0x16d: {  	[tilespmem:v8+s4+$0x0] =	vst.idx.msk $0xff, v10  }
0x16e: {  	v10 =	vor.u32 $0x2200, v34;
	v12 =	vld.idx.msk [tilespmem:v9+s10+$0x0], $0xffff  }
0x16f: {  	v11 =	vor.u32 v11, v30  }
0x170: {  	v13 =	vld [tilespmem:$0x1FF50];
	_ =	sdelay $0x2  }
0x171: {  	[tilespmem:v10+s4+$0x0] =	vst.idx.msk $0xff, v12  }
0x172: {  	v12 =	vor.u32 $0x2280, v34;
	v14 =	vld.idx.msk [tilespmem:v11+s10+$0x0], $0xffff  }
0x173: {  	v13 =	vor.u32 v13, v30  }
0x174: {  	v15 =	vld [tilespmem:$0x1FF60];
	_ =	sdelay $0x2  }
0x175: {  	[tilespmem:v12+s4+$0x0] =	vst.idx.msk $0xff, v14  }
0x176: {  	v14 =	vor.u32 $0x2300, v34;
	v16 =	vld.idx.msk [tilespmem:v13+s10+$0x0], $0xffff  }
0x177: {  	v15 =	vor.u32 v15, v30  }
0x178: {  	v17 =	vld [tilespmem:$0x1FF70];
	_ =	sdelay $0x2  }
0x179: {  	[tilespmem:v14+s4+$0x0] =	vst.idx.msk $0xff, v16  }
0x17a: {  	v16 =	vor.u32 $0x2380, v33;
	v18 =	vld.idx.msk [tilespmem:v15+s10+$0x0], $0xffff  }
0x17b: {  	v17 =	vor.u32 v17, v30  }
0x17c: {  	v19 =	vld [tilespmem:$0x1FF80];
	_ =	sdelay $0x2  }
0x17d: {  	[tilespmem:v16+s4+$0x0] =	vst.idx.msk $0xff, v18  }
0x17e: {  	v18 =	vor.u32 $0x3000, v34;
	v20 =	vld.idx.msk [tilespmem:v17+s10+$0x0], $0xffff  }
0x17f: {  	v19 =	vor.u32 v19, v30  }
0x180: {  	v21 =	vld [tilespmem:$0x1FF90];
	_ =	sdelay $0x2  }
0x181: {  	[tilespmem:v18+s4+$0x0] =	vst.idx.msk $0xff, v20  }
0x182: {  	v20 =	vor.u32 $0x3080, v34;
	v22 =	vld.idx.msk [tilespmem:v19+s10+$0x0], $0xffff  }
0x183: {  	v21 =	vor.u32 v21, v30  }
0x184: {  	v23 =	vld [tilespmem:$0x1FFA0];
	_ =	sdelay $0x2  }
0x185: {  	[tilespmem:v20+s4+$0x0] =	vst.idx.msk $0xff, v22  }
0x186: {  	v22 =	vor.u32 $0x3100, v34;
	v24 =	vld.idx.msk [tilespmem:v21+s10+$0x0], $0xffff  }
0x187: {  	v23 =	vor.u32 v23, v30  }
0x188: {  	v25 =	vld [tilespmem:$0x1FFB0];
	_ =	sdelay $0x2  }
0x189: {  	[tilespmem:v22+s4+$0x0] =	vst.idx.msk $0xff, v24  }
0x18a: {  	v24 =	vor.u32 $0x3180, v34;
	v26 =	vld.idx.msk [tilespmem:v23+s10+$0x0], $0xffff  }
0x18b: {  	v25 =	vor.u32 v25, v30  }
0x18c: {  	v27 =	vld [tilespmem:$0x1FFC0];
	_ =	sdelay $0x2  }
0x18d: {  	[tilespmem:v24+s4+$0x0] =	vst.idx.msk $0xff, v26  }
0x18e: {  	v26 =	vor.u32 $0x3200, v34;
	v28 =	vld.idx.msk [tilespmem:v25+s10+$0x0], $0xffff  }
0x18f: {  	v27 =	vor.u32 v27, v30  }
0x190: {  	v29 =	vld [tilespmem:$0x1FFD0];
	_ =	sdelay $0x2  }
0x191: {  	[tilespmem:v26+s4+$0x0] =	vst.idx.msk $0xff, v28  }
0x192: {  	v28 =	vor.u32 $0x3280, v34;
	v31 =	vld.idx.msk [tilespmem:v27+s10+$0x0], $0xffff  }
0x193: {  	v29 =	vor.u32 v29, v30  }
0x194: {  	v32 =	vld [tilespmem:$0x1FFF0];
	_ =	sdelay $0x2  }
0x195: {  	[tilespmem:v28+s4+$0x0] =	vst.idx.msk $0xff, v31  }
0x196: {  	v31 =	vor.u32 $0x3300, v34;
	v35 =	vld.idx.msk [tilespmem:v29+s10+$0x0], $0xffff  }
0x197: {  	v32 =	vor.u32 v32, v30;
	_ =	sdelay $0x3  }
0x198: {  	[tilespmem:v31+s4+$0x0] =	vst.idx.msk $0xff, v35  }
0x199: {  	p0 =	seq.s32 s17, $0x1F0;
	v30 =	vor.u32 $0x3380, v33;
	v33 =	vld.idx.msk [tilespmem:v32+s10+$0x0], $0xffff  }
.Ltmp4:
0x19a: {  	_ = 	snop;
	(pc) =	sbr.rel @p0 .LBB2_4-.Ltmp4, $2  }
0x19b: {  	_ =	sdelay $0x2  }
0x19c: {  	[tilespmem:v30+s4+$0x0] =	vst.idx.msk $0xff, v33  }
0x19d: {  	v33 =	vld [tilespmem:s16+$0x0];
	_ =	sdelay $0x4  }
0x19e: {  	v33 =	vshra.s32 v33, $0x7  }
0x19f: {  	v35 =	vnsel vm0, $0x0, v33  }
0x1a0: {  	v35 =	vxor.u32 $0x80000000, v35  }
0x1a1: {  	(xrf0) =	vmax.scan.msk.u32 $0xffff, v35  }
0x1a2: {  	vm2 =	vcmask $0x308  }
0x1a3: {  	v35 =	vsel vm2, $0x0, v33  }
0x1a4: {  	v35 =	vxor.u32 $0x80000000, v35;
	_ =	sdelay $0x1  }
0x1a5: {  	(xrf0) =	vmax.scan.msk.u32 $0xffff, v35  }
0x1a6: {  	vm2 =	vcmask $0x70C;
	v35, _, _ =	vpop (xrf0)  }
0x1a7: {  	(v2sf) =	vpush v35, $0xF;
	v35 =	vsel vm2, $0x0, v33  }
0x1a8: {  	v35 =	vxor.u32 $0x80000000, v35;
	_ =	sdelay $0x1  }
0x1a9: {  	(xrf0) =	vmax.scan.msk.u32 $0xffff, v35  }
0x1aa: {  	v35, _, _ =	vpop (xrf0)  }
0x1ab: {  	(v2sf) =	vpush v35, $0xF;
	v35 =	vsel vm3, $0x0, v33  }
0x1ac: {  	v35 =	vxor.u32 $0x80000000, v35;
	_ =	sdelay $0x1  }
0x1ad: {  	(xrf0) =	vmax.scan.msk.u32 $0xffff, v35  }
0x1ae: {  	v35, _, _ =	vpop (xrf0)  }
0x1af: {  	(v2sf) =	vpush v35, $0xF;
	v35 =	vsel vm4, $0x0, v33  }
0x1b0: {  	v35 =	vxor.u32 $0x80000000, v35;
	_ =	sdelay $0x1  }
0x1b1: {  	(xrf0) =	vmax.scan.msk.u32 $0xffff, v35  }
0x1b2: {  	v35, _, _ =	vpop (xrf0)  }
0x1b3: {  	s18 =	spop (v2sf);
	(v2sf) =	vpush v35, $0xF;
	v35 =	vsel vm5, $0x0, v33  }
0x1b4: {  	s18 =	sshll.u32 s18, $0x7;
	v35 =	vxor.u32 $0x80000000, v35  }
0x1b5: {  	s18 =	sand.u32 $0x1FFFFF80, s18  }
0x1b6: {  	(xrf0) =	vmax.scan.msk.u32 $0xffff, v35;
	s18 =	sadd.s32 s1, s18  }
0x1b7: {  	[tilespmem:s10], [sflag:$0x1] =	stream.strided.gather [hbm4b:s18+s8], $0x1000, s9, s8, $0x38;
	v35, _, _ =	vpop (xrf0);
	[tilespmem:$0x14200] =	vst v63  }
0x1b8: {  	s20 =	spop (v2sf);
	(v2sf) =	vpush v35, $0xF;
	v35 =	vsel vm6, $0x0, v33  }
0x1b9: {  	s18 =	sshll.u32 s20, $0x7;
	v35 =	vxor.u32 $0x80000000, v35  }
0x1ba: {  	s18 =	sand.u32 $0x1FFFFF80, s18  }
0x1bb: {  	s19 =	simm.s32 $0x5200;
	(xrf0) =	vmax.scan.msk.u32 $0xffff, v35;
	s18 =	sadd.s32 s1, s18  }
0x1bc: {  	[tilespmem:s19], [sflag:$0x2] =	stream.strided.gather [hbm4b:s18+s8], $0x1000, s9, s8, $0x38;
	v35, _, _ =	vpop (xrf0);
	[tilespmem:$0x14200] =	vst v63  }
0x1bd: {  	v33 =	vsel vm7, $0x0, v33;
	s19 =	spop (v2sf);
	(v2sf) =	vpush v35, $0xF  }
0x1be: {  	v33 =	vxor.u32 $0x80000000, v33;
	s18 =	sshll.u32 s19, $0x7  }
0x1bf: {  	s18 =	sand.u32 $0x1FFFFF80, s18  }
0x1c0: {  	s20 =	simm.s32 $0x6200;
	(xrf0) =	vmax.scan.msk.u32 $0xffff, v33;
	s18 =	sadd.s32 s1, s18  }
0x1c1: {  	v33, _, _ =	vpop (xrf0);
	[tilespmem:s20], [sflag:$0x3] =	stream.strided.gather [hbm4b:s18+s8], $0x1000, s9, s8, $0x38;
	[tilespmem:$0x14200] =	vst v63  }
0x1c2: {  	s19 =	spop (v2sf);
	(v2sf) =	vpush v33, $0xF  }
0x1c3: {  	s18 =	sshll.u32 s19, $0x7  }
0x1c4: {  	s18 =	sand.u32 $0x1FFFFF80, s18  }
0x1c5: {  	s20 =	simm.s32 $0x7200;
	s18 =	sadd.s32 s1, s18  }
0x1c6: {  	v33, _, _ =	vpop (xrf0);
	[tilespmem:s20], [sflag:$0x4] =	stream.strided.gather [hbm4b:s18+s8], $0x1000, s9, s8, $0x38;
	[tilespmem:$0x14200] =	vst v63  }
0x1c7: {  	s19 =	spop (v2sf);
	(v2sf) =	vpush v33, $0xF  }
0x1c8: {  	s18 =	sshll.u32 s19, $0x7  }
0x1c9: {  	s18 =	sand.u32 $0x1FFFFF80, s18  }
0x1ca: {  	s20 =	simm.s32 $0x8200;
	s18 =	sadd.s32 s1, s18  }
0x1cb: {  	[tilespmem:s20], [sflag:$0x5] =	stream.strided.gather [hbm4b:s18+s8], $0x1000, s9, s8, $0x38;
	[tilespmem:$0x14200] =	vst v63  }
0x1cc: {  	s19 =	spop (v2sf)  }
0x1cd: {  	s18 =	sshll.u32 s19, $0x7  }
0x1ce: {  	s18 =	sand.u32 $0x1FFFFF80, s18  }
0x1cf: {  	s20 =	simm.s32 $0x9200;
	s18 =	sadd.s32 s1, s18  }
0x1d0: {  	[tilespmem:s20], [sflag:$0x6] =	stream.strided.gather [hbm4b:s18+s8], $0x1000, s9, s8, $0x38;
	[tilespmem:$0x14200] =	vst v63  }
0x1d1: {  	s19 =	spop (v2sf)  }
0x1d2: {  	s18 =	sshll.u32 s19, $0x7  }
0x1d3: {  	s18 =	sand.u32 $0x1FFFFF80, s18  }
0x1d4: {  	s20 =	simm.s32 $0xA200;
	s18 =	sadd.s32 s1, s18  }
0x1d5: {  	[tilespmem:s20], [sflag:$0x7] =	stream.strided.gather [hbm4b:s18+s8], $0x1000, s9, s8, $0x38;
	[tilespmem:$0x14200] =	vst v63  }
.Ltmp5:
0x1d6: {  	s19 =	spop (v2sf);
	(pc) =	sbr.rel .LBB2_4-.Ltmp5, $4  }
0x1d7: {  	s18 =	sshll.u32 s19, $0x7  }
0x1d8: {  	s18 =	sand.u32 $0x1FFFFF80, s18  }
0x1d9: {  	s20 =	simm.s32 $0xB200;
	s19 =	simm.s32 $0xC200;
	s18 =	sadd.s32 s1, s18  }
0x1da: {  	[tilespmem:s20], [sflag:$0x8] =	stream.strided.gather [hbm4b:s18+s8], $0x1000, s9, s8, $0x38;
	[tilespmem:$0x14200] =	vst v63  }
.LBB2_6:
0x1db: {  	_ =	sfence.sel $0x180000  }
0x1dc: {  	[bflag:$0x0] =	sbarrier.arrive $0xFFFF  }
0x1dd: {  	_ =	strace $0x90000047  }
0x1de: {  	s0 =	stileid.u32;
	[bflag:$0x2] =	sbarrier.arrive $0xFFFF  }
0x1df: {  	p0 =	sne.s32 s0, $0x0;
	s0 =	rddreg [dreg:$0x3]  }
0x1e0: {  	s0 =	sadd.s32 @!p0 $0x100000, s0  }
0x1e1: {  	[sflag:s0] =	ssyncadd.tile.s32 @!p0 $0x1;
	_ =	shalt  }
.Lfunc_end2:
_tile_overlayer_lowered:
.L_overlay_start_2:
0x1e2: {  	(tag) =	ssettag $0x2  }
0x1e3: {  	s0 =	rddreg [dreg:$0x0];
	s2 =	stileid.u32  }
0x1e4: {  	s1 =	rddreg [dreg:$0x1];
	p0 =	sne.s32 s2, $0x0  }
0x1e5: {  	s3 =	rddreg [dreg:$0x2];
	[bflag:$0x3] =	sbarrier.arrive $0xFFFF;
	s2 =	simm.s32 @!p0 $0x1C11  }
0x1e6: {  	[timem:s3], [sflag:s2] =	dma.local @!p0 [hbm:s0], s1  }
0x1e7: {  	s0 =	simm.s32 @!p0 $0x11  }
0x1e8: {  	_ =	swait.ge @!p0 [sflag:s0], s1  }
0x1e9: {  	s1 =	ssub.s32 @!p0 $0x0, s1;
	[sflag:s0] =	ssyncset.done @!p0 $0x0  }
0x1ea: {  	[sflag:s0] =	ssyncadd.s32 @!p0 s1  }
0x1eb: {  	[bflag:$0x3] =	sbarrier.arrive $0xFFFF  }
0x1ec: {  	_ =	shalt  }

</sc_bundles>
